<compile_context>
chip_gen: v7x
topology: tpu7x:2x2x1
jax: 0.10.2.dev20260603
libtpu: 0.0.44.dev20260713+nightly
codegen_flags: <defaults>
</compile_context>

<pallas_src>
import jax
import jax.numpy as jnp
from jax import lax
from jax.experimental import pallas as pl
from jax.experimental.pallas import tpu as pltpu
from jax.experimental.pallas import tpu_sc as plsc

N_NODES = 10000
N_EDGES = 320000
D = 128

NC = 2
NS = 16
NW = NC * NS
PW = N_EDGES // NW
CH = 80
NCH = PW // CH

_sc_mesh = plsc.VectorSubcoreMesh(core_axis_name="c", subcore_axis_name="s")


def _sc_body(x_hbm, src_hbm, dst_hbm, acc_hbm, deg_hbm,
             src_v, dst_v, rows_v, src_b, dst_b, rows_b, acc_sh, sem, sem_b):
    cid = lax.axis_index("c")
    sid = lax.axis_index("s")
    wid = sid * NC + cid

    zero16 = jnp.zeros((16,), jnp.float32)
    ones16 = jnp.ones((16,), jnp.float32)

    def _fill_rows(val16):
        def _f(r, _):
            for j in range(D // 16):
                rows_v[r, pl.ds(j * 16, 16)] = val16
            return 0
        lax.fori_loop(0, CH, _f, 0)

    n_row_chunks = N_NODES // CH
    my_chunks = jnp.where(sid < n_row_chunks % NS,
                          n_row_chunks // NS + 1, n_row_chunks // NS)

    def _zero_acc(j, _):
        off = (sid + j * NS) * CH
        pltpu.sync_copy(rows_v, acc_sh.at[pl.ds(off, CH)])
        return 0

    def _writeback_to(out_hbm):
        def _wb(j, _):
            off = (sid + j * NS) * CH
            pltpu.sync_copy(acc_sh.at[pl.ds(off, CH)], rows_v)
            pltpu.sync_copy(rows_v, out_hbm.at[cid].at[pl.ds(off, CH)])
            return 0
        lax.fori_loop(0, my_chunks, _wb, 0)

    e0 = wid * PW

    _fill_rows(zero16)
    lax.fori_loop(0, my_chunks, _zero_acc, 0)
    plsc.subcore_barrier()

    def _fire(c, s_v, r_v, sm):
        pltpu.sync_copy(src_hbm.at[pl.ds(e0 + c * CH, CH)], s_v)
        pltpu.async_copy(x_hbm.at[s_v], r_v, sm)

    def _drain_scatter(c, s_v, d_v, r_v, sm):
        pltpu.sync_copy(dst_hbm.at[pl.ds(e0 + c * CH, CH)], d_v)
        pltpu.make_async_copy(x_hbm.at[s_v], r_v, sm).wait()
        pltpu.sync_copy(r_v, acc_sh.at[d_v], add=True)

    _fire(0, src_v, rows_v, sem)

    def _edge_pair(i, _):
        c0 = 2 * i
        _fire(c0 + 1, src_b, rows_b, sem_b)
        _drain_scatter(c0, src_v, dst_v, rows_v, sem)

        @pl.when(c0 + 2 < NCH)
        def _():
            _fire(c0 + 2, src_v, rows_v, sem)
        _drain_scatter(c0 + 1, src_b, dst_b, rows_b, sem_b)
        return 0
    lax.fori_loop(0, NCH // 2, _edge_pair, 0)
    if NCH % 2:
        _drain_scatter(NCH - 1, src_v, dst_v, rows_v, sem)

    plsc.subcore_barrier()
    _writeback_to(acc_hbm)
    plsc.subcore_barrier()

    _fill_rows(zero16)
    lax.fori_loop(0, my_chunks, _zero_acc, 0)
    _fill_rows(ones16)
    plsc.subcore_barrier()

    def _deg_chunk(c, _):
        pltpu.sync_copy(dst_hbm.at[pl.ds(e0 + c * CH, CH)], dst_v)
        pltpu.sync_copy(rows_v, acc_sh.at[dst_v], add=True)
        return 0
    lax.fori_loop(0, NCH, _deg_chunk, 0)

    plsc.subcore_barrier()
    _writeback_to(deg_hbm)


_sc_aggregate = pl.kernel(
    _sc_body,
    out_type=[
        jax.ShapeDtypeStruct((NC, N_NODES, D), jnp.float32),
        jax.ShapeDtypeStruct((NC, N_NODES, D), jnp.float32),
    ],
    mesh=_sc_mesh,
    scratch_types=[
        pltpu.VMEM((CH,), jnp.int32),
        pltpu.VMEM((CH,), jnp.int32),
        pltpu.VMEM((CH, D), jnp.float32),
        pltpu.VMEM((CH,), jnp.int32),
        pltpu.VMEM((CH,), jnp.int32),
        pltpu.VMEM((CH, D), jnp.float32),
        pltpu.VMEM_SHARED((N_NODES, D), jnp.float32),
        pltpu.SemaphoreType.DMA,
        pltpu.SemaphoreType.DMA,
    ],
)


_TC_BLK = 1000


def _tc_body(x_ref, acc_ref, deg_ref, ws_ref, wn_ref, b_ref, o_ref):
    s = acc_ref[0, :, :] + acc_ref[1, :, :]
    deg = jnp.sum(deg_ref[0, :, :] + deg_ref[1, :, :], axis=1) * (1.0 / D)
    mean = s / jnp.maximum(deg, 1.0)[:, None]
    o_ref[...] = jnp.maximum(
        jnp.dot(x_ref[...], ws_ref[...], preferred_element_type=jnp.float32)
        + jnp.dot(mean, wn_ref[...], preferred_element_type=jnp.float32)
        + b_ref[...],
        0.0,
    )


def _tc_finish(x, acc, deg, W_self, W_neigh, b2d):
    grid = (N_NODES // _TC_BLK,)
    return pl.pallas_call(
        _tc_body,
        grid=grid,
        in_specs=[
            pl.BlockSpec((_TC_BLK, D), lambda i: (i, 0)),
            pl.BlockSpec((NC, _TC_BLK, D), lambda i: (0, i, 0)),
            pl.BlockSpec((NC, _TC_BLK, D), lambda i: (0, i, 0)),
            pl.BlockSpec((D, D), lambda i: (0, 0)),
            pl.BlockSpec((D, D), lambda i: (0, 0)),
            pl.BlockSpec((1, D), lambda i: (0, 0)),
        ],
        out_specs=pl.BlockSpec((_TC_BLK, D), lambda i: (i, 0)),
        out_shape=jax.ShapeDtypeStruct((N_NODES, D), jnp.float32),
    )(x, acc, deg, W_self, W_neigh, b2d)


@jax.jit
def kernel(x, edge_index, W_self, W_neigh, b):
    src = edge_index[0].astype(jnp.int32)
    dst = edge_index[1].astype(jnp.int32)
    acc, deg = _sc_aggregate(x, src, dst)
    return _tc_finish(x, acc, deg, W_self, W_neigh, b.reshape(1, D))

# --- scband reference (transcript-rebuilt; emitter-appended) ---
"""Pipeline reference for scband-sage-51908974739645 (READ-ONLY COPY).

The authoritative reference and input builder live on the scoring server;
editing this copy changes nothing except your own understanding.
"""

import jax, jax.numpy as jnp
import numpy as np

N_NODES = 10000
N_EDGES = 320000
D_FEAT = 128
D_OUT = 128


def setup_inputs(seed: int = 0) -> dict:
    key = jax.random.key(seed)
    k1, k2, k3, k4, k5 = jax.random.split(key, 5)
    x = jax.random.normal(k1, (N_NODES, D_FEAT), dtype=jnp.float32)
    edge_index = jax.random.randint(k2, (2, N_EDGES), 0, N_NODES, dtype=jnp.int64)
    # DGL SAGEConv('mean') parameters: fc_self, fc_neigh, bias
    scale = 1.0 / np.sqrt(D_FEAT)
    W_self = jax.random.uniform(k3, (D_FEAT, D_OUT), dtype=jnp.float32, minval=-scale, maxval=scale)
    W_neigh = jax.random.uniform(k4, (D_FEAT, D_OUT), dtype=jnp.float32, minval=-scale, maxval=scale)
    b = jnp.zeros((D_OUT,), dtype=jnp.float32)
    return {"x": x, "edge_index": edge_index, "W_self": W_self, "W_neigh": W_neigh, "b": b}


def reference(x, edge_index, W_self, W_neigh, b):
    # Single-layer SAGE ('mean' aggregator) as in DGL SAGEConv, followed by ReLU activation.
    # Block semantics collapsed to full graph: h_dst = x (num_dst_nodes == N).
    src = edge_index[0]
    dst = edge_index[1]
    # gather source-node features along edges (SparseCore gather)
    msgs = jnp.take(x, src, axis=0)
    # mean aggregation over incoming edges per destination node (scatter-add)
    neigh_sum = jax.ops.segment_sum(msgs, dst, num_segments=N_NODES)
    deg = jax.ops.segment_sum(jnp.ones((N_EDGES,), dtype=jnp.float32), dst, num_segments=N_NODES)
    neigh_mean = neigh_sum / jnp.clip(deg, 1.0, None)[:, None]
    # rst = fc_self(h_dst) + fc_neigh(h_neigh) + bias
    out = x @ W_self + neigh_mean @ W_neigh + b
    # activation
    out = jax.nn.relu(out)
    return out

if __name__ == "__main__":
    import jax
    _d = setup_inputs()
    print(jax.jit(kernel)(*tuple(_d.values())))

</pallas_src>

<mosaic_0001>
#map = affine_map<(d0, d1) -> (0, 0)>
#map1 = affine_map<(d0, d1) -> (0)>
#map2 = affine_map<(d0, d1) -> (0, 0, 0)>
module attributes {stable_mosaic.version = 14 : i64} {
  func.func @_sc_body(%arg0: i32, %arg1: i32, %arg2: memref<10000x128xf32, #tpu.memory_space<hbm>>, %arg3: memref<320000xi32, #tpu.memory_space<hbm>>, %arg4: memref<320000xi32, #tpu.memory_space<hbm>>, %arg5: memref<2x10000x128xf32, #tpu.memory_space<hbm>>, %arg6: memref<2x10000x128xf32, #tpu.memory_space<hbm>>, %arg7: memref<80xi32, #tpu.memory_space<vmem>>, %arg8: memref<80xi32, #tpu.memory_space<vmem>>, %arg9: memref<80x128xf32, #tpu.memory_space<vmem>>, %arg10: memref<80xi32, #tpu.memory_space<vmem>>, %arg11: memref<80xi32, #tpu.memory_space<vmem>>, %arg12: memref<80x128xf32, #tpu.memory_space<vmem>>, %arg13: memref<10000x128xf32, #tpu.memory_space<vmem_shared>>, %arg14: memref<!tpu.dma_semaphore, #tpu.memory_space<semaphore_mem>>, %arg15: memref<!tpu.dma_semaphore, #tpu.memory_space<semaphore_mem>>) attributes {dimension_semantics = [#tpu.dimension_semantics<core_parallel>, #tpu.dimension_semantics<subcore_parallel>], iteration_bounds = array<i64: 2, 16>, scalar_prefetch = 0 : i64, scratch_operands = 9 : i64, tpu.core_type = #tpu.core_type<sc_vector_subcore>, window_params = [{transform_indices = #map}, {transform_indices = #map1}, {transform_indices = #map1}, {transform_indices = #map2}, {transform_indices = #map2}]} {
    %mul3A = arith.constant 2 : i32
    %mul3A_0 = arith.muli %arg1, %mul3A : i32
    %add3A = arith.addi %mul3A_0, %arg0 : i32
    %broadcast_in_dim3A = arith.constant 0.000000e+00 : f32
    %broadcast_in_dim3A_1 = vector.broadcast %broadcast_in_dim3A : f32 to vector<16xf32>
    %broadcast_in_dim3A_2 = arith.constant 1.000000e+00 : f32
    %broadcast_in_dim3A_3 = vector.broadcast %broadcast_in_dim3A_2 : f32 to vector<16xf32>
    %lt3A = arith.constant 13 : i32
    %lt3A_4 = arith.cmpi slt, %arg1, %lt3A : i32
    %jit3A = arith.constant 8 : i32
    %jit3A_5 = arith.constant 7 : i32
    %select_n3A = arith.select %lt3A_4, %jit3A, %jit3A_5 : i32
    %mul3A_6 = arith.constant 10000 : i32
    %mul3A_7 = arith.muli %add3A, %mul3A_6 : i32
    %scan3A = arith.constant 0 : i32
    %scan3A_8 = arith.constant 0 : i32
    %scan3A_9 = arith.constant 80 : i32
    %scan3A_10 = arith.addi %scan3A_8, %scan3A_9 : i32
    %scan3A_11 = arith.constant 1 : i32
    %scan3A_12 = scf.for %scan3A_101 = %scan3A_8 to %scan3A_10 step %scan3A_11 iter_args(%scan3A_102 = %scan3A) -> (i32)  : i32 {
      %swap3A = arith.index_cast %scan3A_101 : i32 to index
      %swap3A_103 = arith.constant 0 : index
      %swap3A_104 = tpu.vector_load %arg9[%swap3A, %swap3A_103] {strides = array<i32>} : memref<80x128xf32, #tpu.memory_space<vmem>>, vector<1x16xf32>,
      %swap3A_105 = vector.shape_cast %swap3A_104 : vector<1x16xf32> to vector<16xf32>
      %swap3A_106 = vector.shape_cast %broadcast_in_dim3A_1 : vector<16xf32> to vector<1x16xf32>
      tpu.vector_store %arg9[%swap3A, %swap3A_103], %swap3A_106 {strides = array<i32>} : memref<80x128xf32, #tpu.memory_space<vmem>>, vector<1x16xf32>,
      %swap3A_107 = arith.index_cast %scan3A_101 : i32 to index
      %swap3A_108 = arith.constant 16 : index
      %swap3A_109 = tpu.vector_load %arg9[%swap3A_107, %swap3A_108] {strides = array<i32>} : memref<80x128xf32, #tpu.memory_space<vmem>>, vector<1x16xf32>,
      %swap3A_110 = vector.shape_cast %swap3A_109 : vector<1x16xf32> to vector<16xf32>
      %swap3A_111 = vector.shape_cast %broadcast_in_dim3A_1 : vector<16xf32> to vector<1x16xf32>
      tpu.vector_store %arg9[%swap3A_107, %swap3A_108], %swap3A_111 {strides = array<i32>} : memref<80x128xf32, #tpu.memory_space<vmem>>, vector<1x16xf32>,
      %swap3A_112 = arith.index_cast %scan3A_101 : i32 to index
      %swap3A_113 = arith.constant 32 : index
      %swap3A_114 = tpu.vector_load %arg9[%swap3A_112, %swap3A_113] {strides = array<i32>} : memref<80x128xf32, #tpu.memory_space<vmem>>, vector<1x16xf32>,
      %swap3A_115 = vector.shape_cast %swap3A_114 : vector<1x16xf32> to vector<16xf32>
      %swap3A_116 = vector.shape_cast %broadcast_in_dim3A_1 : vector<16xf32> to vector<1x16xf32>
      tpu.vector_store %arg9[%swap3A_112, %swap3A_113], %swap3A_116 {strides = array<i32>} : memref<80x128xf32, #tpu.memory_space<vmem>>, vector<1x16xf32>,
      %swap3A_117 = arith.index_cast %scan3A_101 : i32 to index
      %swap3A_118 = arith.constant 48 : index
      %swap3A_119 = tpu.vector_load %arg9[%swap3A_117, %swap3A_118] {strides = array<i32>} : memref<80x128xf32, #tpu.memory_space<vmem>>, vector<1x16xf32>,
      %swap3A_120 = vector.shape_cast %swap3A_119 : vector<1x16xf32> to vector<16xf32>
      %swap3A_121 = vector.shape_cast %broadcast_in_dim3A_1 : vector<16xf32> to vector<1x16xf32>
      tpu.vector_store %arg9[%swap3A_117, %swap3A_118], %swap3A_121 {strides = array<i32>} : memref<80x128xf32, #tpu.memory_space<vmem>>, vector<1x16xf32>,
      %swap3A_122 = arith.index_cast %scan3A_101 : i32 to index
      %swap3A_123 = arith.constant 64 : index
      %swap3A_124 = tpu.vector_load %arg9[%swap3A_122, %swap3A_123] {strides = array<i32>} : memref<80x128xf32, #tpu.memory_space<vmem>>, vector<1x16xf32>,
      %swap3A_125 = vector.shape_cast %swap3A_124 : vector<1x16xf32> to vector<16xf32>
      %swap3A_126 = vector.shape_cast %broadcast_in_dim3A_1 : vector<16xf32> to vector<1x16xf32>
      tpu.vector_store %arg9[%swap3A_122, %swap3A_123], %swap3A_126 {strides = array<i32>} : memref<80x128xf32, #tpu.memory_space<vmem>>, vector<1x16xf32>,
      %swap3A_127 = arith.index_cast %scan3A_101 : i32 to index
      %swap3A_128 = arith.constant 80 : index
      %swap3A_129 = tpu.vector_load %arg9[%swap3A_127, %swap3A_128] {strides = array<i32>} : memref<80x128xf32, #tpu.memory_space<vmem>>, vector<1x16xf32>,
      %swap3A_130 = vector.shape_cast %swap3A_129 : vector<1x16xf32> to vector<16xf32>
      %swap3A_131 = vector.shape_cast %broadcast_in_dim3A_1 : vector<16xf32> to vector<1x16xf32>
      tpu.vector_store %arg9[%swap3A_127, %swap3A_128], %swap3A_131 {strides = array<i32>} : memref<80x128xf32, #tpu.memory_space<vmem>>, vector<1x16xf32>,
      %swap3A_132 = arith.index_cast %scan3A_101 : i32 to index
      %swap3A_133 = arith.constant 96 : index
      %swap3A_134 = tpu.vector_load %arg9[%swap3A_132, %swap3A_133] {strides = array<i32>} : memref<80x128xf32, #tpu.memory_space<vmem>>, vector<1x16xf32>,
      %swap3A_135 = vector.shape_cast %swap3A_134 : vector<1x16xf32> to vector<16xf32>
      %swap3A_136 = vector.shape_cast %broadcast_in_dim3A_1 : vector<16xf32> to vector<1x16xf32>
      tpu.vector_store %arg9[%swap3A_132, %swap3A_133], %swap3A_136 {strides = array<i32>} : memref<80x128xf32, #tpu.memory_space<vmem>>, vector<1x16xf32>,
      %swap3A_137 = arith.index_cast %scan3A_101 : i32 to index
      %swap3A_138 = arith.constant 112 : index
      %swap3A_139 = tpu.vector_load %arg9[%swap3A_137, %swap3A_138] {strides = array<i32>} : memref<80x128xf32, #tpu.memory_space<vmem>>, vector<1x16xf32>,
      %swap3A_140 = vector.shape_cast %swap3A_139 : vector<1x16xf32> to vector<16xf32>
      %swap3A_141 = vector.shape_cast %broadcast_in_dim3A_1 : vector<16xf32> to vector<1x16xf32>
      tpu.vector_store %arg9[%swap3A_137, %swap3A_138], %swap3A_141 {strides = array<i32>} : memref<80x128xf32, #tpu.memory_space<vmem>>, vector<1x16xf32>,
      %scan3A_142 = arith.constant 0 : i32
      scf.yield %scan3A_142 : i32
    }
    %scan3A_13 = arith.constant 80 : i32
    %while3A = arith.constant 0 : i32
    %while3A_14 = arith.constant 0 : i32
    %while3A_15 = arith.subi %select_n3A, %while3A : i32
    %while3A_16 = arith.addi %while3A, %while3A_15 : i32
    %while3A_17 = arith.constant 1 : i32
    %while3A_18 = arith.divsi %while3A_15, %while3A_17 : i32
    %while3A_19 = arith.muli %while3A_18, %while3A_17 : i32
    %while3A_20 = arith.addi %while3A, %while3A_19 : i32
    %while3A_21 = arith.constant 1 : i32
    %while3A_22 = scf.for %while3A_101 = %while3A to %while3A_20 step %while3A_21 iter_args(%while3A_102 = %while3A_14) -> (i32)  : i32 {
      %mul3A_103 = arith.constant 16 : i32
      %mul3A_104 = arith.muli %while3A_101, %mul3A_103 : i32
      %add3A_105 = arith.addi %arg1, %mul3A_104 : i32
      %mul3A_106 = arith.constant 80 : i32
      %mul3A_107 = arith.muli %add3A_105, %mul3A_106 : i32
      "tpu.region"() ({
        %run_scoped3A = tpu.sem_alloc : memref<!tpu.dma_semaphore, #tpu.memory_space<semaphore_mem>>
        %dma_start3A_109 = arith.constant 0 : i32
        %dma_start3A_110 = tpu.memref_slice %arg13[%mul3A_107, %dma_start3A_109] : memref<10000x128xf32, #tpu.memory_space<vmem_shared>> -> memref<80x128xf32, #tpu.memory_space<vmem_shared>>
        %dma_start3A_111 = arith.constant 0 : i32
        %dma_start3A_112 = tpu.memref_slice %arg13[%mul3A_107, %dma_start3A_111] : memref<10000x128xf32, #tpu.memory_space<vmem_shared>> -> memref<80x128xf32, #tpu.memory_space<vmem_shared>>
        tpu.enqueue_dma source(%arg9 : memref<80x128xf32, #tpu.memory_space<vmem>>) target(%dma_start3A_112 : memref<80x128xf32, #tpu.memory_space<vmem_shared>>) target_semaphore(%run_scoped3A : memref<!tpu.dma_semaphore, #tpu.memory_space<semaphore_mem>>)
        %dma_wait3A_113 = arith.constant 0 : i32
        %dma_wait3A_114 = tpu.memref_slice %arg13[%mul3A_107, %dma_wait3A_113] : memref<10000x128xf32, #tpu.memory_space<vmem_shared>> -> memref<80x128xf32, #tpu.memory_space<vmem_shared>>
        %dma_wait3A_115 = arith.constant 0 : i32
        %dma_wait3A_116 = tpu.memref_slice %arg13[%mul3A_107, %dma_wait3A_115] : memref<10000x128xf32, #tpu.memory_space<vmem_shared>> -> memref<80x128xf32, #tpu.memory_space<vmem_shared>>
        tpu.wait_dma2 semaphore(%run_scoped3A : memref<!tpu.dma_semaphore, #tpu.memory_space<semaphore_mem>>) src(%arg9 : memref<80x128xf32, #tpu.memory_space<vmem>>) dst(%dma_wait3A_116 : memref<80x128xf32, #tpu.memory_space<vmem_shared>>)
        tpu.yield
      }) : () -> ()
      %while3A_108 = arith.constant 0 : i32
      scf.yield %while3A_108 : i32
    }
    %while3A_23 = arith.constant 1 : i32
    %while3A_24 = scf.for %while3A_101 = %while3A_20 to %while3A_16 step %while3A_23 iter_args(%while3A_102 = %while3A_22) -> (i32)  : i32 {
      %mul3A_103 = arith.constant 16 : i32
      %mul3A_104 = arith.muli %while3A_101, %mul3A_103 : i32
      %add3A_105 = arith.addi %arg1, %mul3A_104 : i32
      %mul3A_106 = arith.constant 80 : i32
      %mul3A_107 = arith.muli %add3A_105, %mul3A_106 : i32
      "tpu.region"() ({
        %run_scoped3A = tpu.sem_alloc : memref<!tpu.dma_semaphore, #tpu.memory_space<semaphore_mem>>
        %dma_start3A_109 = arith.constant 0 : i32
        %dma_start3A_110 = tpu.memref_slice %arg13[%mul3A_107, %dma_start3A_109] : memref<10000x128xf32, #tpu.memory_space<vmem_shared>> -> memref<80x128xf32, #tpu.memory_space<vmem_shared>>
        %dma_start3A_111 = arith.constant 0 : i32
        %dma_start3A_112 = tpu.memref_slice %arg13[%mul3A_107, %dma_start3A_111] : memref<10000x128xf32, #tpu.memory_space<vmem_shared>> -> memref<80x128xf32, #tpu.memory_space<vmem_shared>>
        tpu.enqueue_dma source(%arg9 : memref<80x128xf32, #tpu.memory_space<vmem>>) target(%dma_start3A_112 : memref<80x128xf32, #tpu.memory_space<vmem_shared>>) target_semaphore(%run_scoped3A : memref<!tpu.dma_semaphore, #tpu.memory_space<semaphore_mem>>)
        %dma_wait3A_113 = arith.constant 0 : i32
        %dma_wait3A_114 = tpu.memref_slice %arg13[%mul3A_107, %dma_wait3A_113] : memref<10000x128xf32, #tpu.memory_space<vmem_shared>> -> memref<80x128xf32, #tpu.memory_space<vmem_shared>>
        %dma_wait3A_115 = arith.constant 0 : i32
        %dma_wait3A_116 = tpu.memref_slice %arg13[%mul3A_107, %dma_wait3A_115] : memref<10000x128xf32, #tpu.memory_space<vmem_shared>> -> memref<80x128xf32, #tpu.memory_space<vmem_shared>>
        tpu.wait_dma2 semaphore(%run_scoped3A : memref<!tpu.dma_semaphore, #tpu.memory_space<semaphore_mem>>) src(%arg9 : memref<80x128xf32, #tpu.memory_space<vmem>>) dst(%dma_wait3A_116 : memref<80x128xf32, #tpu.memory_space<vmem_shared>>)
        tpu.yield
      }) : () -> ()
      %while3A_108 = arith.constant 0 : i32
      scf.yield %while3A_108 : i32
    }
    %barrier3A = arith.constant 0 : index
    tpu.barrier barrier_id(%barrier3A)
    %add3A_25 = arith.constant 0 : i32
    %add3A_26 = arith.addi %mul3A_7, %add3A_25 : i32
    "tpu.region"() ({
      %run_scoped3A = tpu.sem_alloc : memref<!tpu.dma_semaphore, #tpu.memory_space<semaphore_mem>>
      %dma_start3A_101 = tpu.memref_slice %arg3[%add3A_26] : memref<320000xi32, #tpu.memory_space<hbm>> -> memref<80xi32, #tpu.memory_space<hbm>>
      %dma_start3A_102 = tpu.memref_slice %arg3[%add3A_26] : memref<320000xi32, #tpu.memory_space<hbm>> -> memref<80xi32, #tpu.memory_space<hbm>>
      tpu.enqueue_dma source(%dma_start3A_102 : memref<80xi32, #tpu.memory_space<hbm>>) target(%arg7 : memref<80xi32, #tpu.memory_space<vmem>>) target_semaphore(%run_scoped3A : memref<!tpu.dma_semaphore, #tpu.memory_space<semaphore_mem>>)
      %dma_wait3A_103 = tpu.memref_slice %arg3[%add3A_26] : memref<320000xi32, #tpu.memory_space<hbm>> -> memref<80xi32, #tpu.memory_space<hbm>>
      %dma_wait3A_104 = tpu.memref_slice %arg3[%add3A_26] : memref<320000xi32, #tpu.memory_space<hbm>> -> memref<80xi32, #tpu.memory_space<hbm>>
      tpu.wait_dma2 semaphore(%run_scoped3A : memref<!tpu.dma_semaphore, #tpu.memory_space<semaphore_mem>>) src(%dma_wait3A_104 : memref<80xi32, #tpu.memory_space<hbm>>) dst(%arg7 : memref<80xi32, #tpu.memory_space<vmem>>)
      tpu.yield
    }) : () -> ()
    %dma_start3A = arith.constant 0 : i32
    %dma_start3A_27 = arith.constant 0 : i32
    %dma_start3A_28 = tpu.memref_slice %arg2[%dma_start3A, %dma_start3A_27] : memref<10000x128xf32, #tpu.memory_space<hbm>> -> memref<10000x128xf32, #tpu.memory_space<hbm>>
    tpu.enqueue_indirect_dma source(%dma_start3A_28 : memref<10000x128xf32, #tpu.memory_space<hbm>>) target(%arg9 : memref<80x128xf32, #tpu.memory_space<vmem>>) offsets(%arg7 : memref<80xi32, #tpu.memory_space<vmem>>) semaphore(%arg14 : memref<!tpu.dma_semaphore, #tpu.memory_space<semaphore_mem>>)
    %scan3A_29 = arith.constant 0 : i32
    %scan3A_30 = arith.constant 0 : i32
    %scan3A_31 = arith.constant 62 : i32
    %scan3A_32 = arith.addi %scan3A_30, %scan3A_31 : i32
    %scan3A_33 = arith.constant 1 : i32
    %scan3A_34 = scf.for %scan3A_101 = %scan3A_30 to %scan3A_32 step %scan3A_33 iter_args(%scan3A_102 = %scan3A_29) -> (i32)  : i32 {
      %mul3A_103 = arith.constant 2 : i32
      %mul3A_104 = arith.muli %mul3A_103, %scan3A_101 : i32
      %add3A_105 = arith.constant 1 : i32
      %add3A_106 = arith.addi %mul3A_104, %add3A_105 : i32
      %mul3A_107 = arith.constant 80 : i32
      %mul3A_108 = arith.muli %add3A_106, %mul3A_107 : i32
      %add3A_109 = arith.addi %mul3A_7, %mul3A_108 : i32
      "tpu.region"() ({
        %run_scoped3A = tpu.sem_alloc : memref<!tpu.dma_semaphore, #tpu.memory_space<semaphore_mem>>
        %dma_start3A_133 = tpu.memref_slice %arg3[%add3A_109] : memref<320000xi32, #tpu.memory_space<hbm>> -> memref<80xi32, #tpu.memory_space<hbm>>
        %dma_start3A_134 = tpu.memref_slice %arg3[%add3A_109] : memref<320000xi32, #tpu.memory_space<hbm>> -> memref<80xi32, #tpu.memory_space<hbm>>
        tpu.enqueue_dma source(%dma_start3A_134 : memref<80xi32, #tpu.memory_space<hbm>>) target(%arg10 : memref<80xi32, #tpu.memory_space<vmem>>) target_semaphore(%run_scoped3A : memref<!tpu.dma_semaphore, #tpu.memory_space<semaphore_mem>>)
        %dma_wait3A_135 = tpu.memref_slice %arg3[%add3A_109] : memref<320000xi32, #tpu.memory_space<hbm>> -> memref<80xi32, #tpu.memory_space<hbm>>
        %dma_wait3A_136 = tpu.memref_slice %arg3[%add3A_109] : memref<320000xi32, #tpu.memory_space<hbm>> -> memref<80xi32, #tpu.memory_space<hbm>>
        tpu.wait_dma2 semaphore(%run_scoped3A : memref<!tpu.dma_semaphore, #tpu.memory_space<semaphore_mem>>) src(%dma_wait3A_136 : memref<80xi32, #tpu.memory_space<hbm>>) dst(%arg10 : memref<80xi32, #tpu.memory_space<vmem>>)
        tpu.yield
      }) : () -> ()
      %dma_start3A_110 = arith.constant 0 : i32
      %dma_start3A_111 = arith.constant 0 : i32
      %dma_start3A_112 = tpu.memref_slice %arg2[%dma_start3A_110, %dma_start3A_111] : memref<10000x128xf32, #tpu.memory_space<hbm>> -> memref<10000x128xf32, #tpu.memory_space<hbm>>
      tpu.enqueue_indirect_dma source(%dma_start3A_112 : memref<10000x128xf32, #tpu.memory_space<hbm>>) target(%arg12 : memref<80x128xf32, #tpu.memory_space<vmem>>) offsets(%arg10 : memref<80xi32, #tpu.memory_space<vmem>>) semaphore(%arg15 : memref<!tpu.dma_semaphore, #tpu.memory_space<semaphore_mem>>)
      %mul3A_113 = arith.constant 80 : i32
      %mul3A_114 = arith.muli %mul3A_104, %mul3A_113 : i32
      %add3A_115 = arith.addi %mul3A_7, %mul3A_114 : i32
      "tpu.region"() ({
        %run_scoped3A = tpu.sem_alloc : memref<!tpu.dma_semaphore, #tpu.memory_space<semaphore_mem>>
        %dma_start3A_133 = tpu.memref_slice %arg4[%add3A_115] : memref<320000xi32, #tpu.memory_space<hbm>> -> memref<80xi32, #tpu.memory_space<hbm>>
        %dma_start3A_134 = tpu.memref_slice %arg4[%add3A_115] : memref<320000xi32, #tpu.memory_space<hbm>> -> memref<80xi32, #tpu.memory_space<hbm>>
        tpu.enqueue_dma source(%dma_start3A_134 : memref<80xi32, #tpu.memory_space<hbm>>) target(%arg8 : memref<80xi32, #tpu.memory_space<vmem>>) target_semaphore(%run_scoped3A : memref<!tpu.dma_semaphore, #tpu.memory_space<semaphore_mem>>)
        %dma_wait3A_135 = tpu.memref_slice %arg4[%add3A_115] : memref<320000xi32, #tpu.memory_space<hbm>> -> memref<80xi32, #tpu.memory_space<hbm>>
        %dma_wait3A_136 = tpu.memref_slice %arg4[%add3A_115] : memref<320000xi32, #tpu.memory_space<hbm>> -> memref<80xi32, #tpu.memory_space<hbm>>
        tpu.wait_dma2 semaphore(%run_scoped3A : memref<!tpu.dma_semaphore, #tpu.memory_space<semaphore_mem>>) src(%dma_wait3A_136 : memref<80xi32, #tpu.memory_space<hbm>>) dst(%arg8 : memref<80xi32, #tpu.memory_space<vmem>>)
        tpu.yield
      }) : () -> ()
      %dma_wait3A_116 = arith.constant 0 : i32
      %dma_wait3A_117 = arith.constant 0 : i32
      %dma_wait3A_118 = tpu.memref_slice %arg2[%dma_wait3A_116, %dma_wait3A_117] : memref<10000x128xf32, #tpu.memory_space<hbm>> -> memref<10000x128xf32, #tpu.memory_space<hbm>>
      tpu.wait_indirect_dma semaphore(%arg14 : memref<!tpu.dma_semaphore, #tpu.memory_space<semaphore_mem>>) src(%dma_wait3A_118 : memref<10000x128xf32, #tpu.memory_space<hbm>>) dst(%arg9 : memref<80x128xf32, #tpu.memory_space<vmem>>)
      "tpu.region"() ({
        %run_scoped3A = tpu.sem_alloc : memref<!tpu.dma_semaphore, #tpu.memory_space<semaphore_mem>>
        %dma_start3A_133 = arith.constant 0 : i32
        %dma_start3A_134 = arith.constant 0 : i32
        %dma_start3A_135 = tpu.memref_slice %arg13[%dma_start3A_133, %dma_start3A_134] : memref<10000x128xf32, #tpu.memory_space<vmem_shared>> -> memref<10000x128xf32, #tpu.memory_space<vmem_shared>>
        tpu.enqueue_indirect_dma source(%arg9 : memref<80x128xf32, #tpu.memory_space<vmem>>) target(%dma_start3A_135 : memref<10000x128xf32, #tpu.memory_space<vmem_shared>>) offsets(%arg8 : memref<80xi32, #tpu.memory_space<vmem>>) semaphore(%run_scoped3A : memref<!tpu.dma_semaphore, #tpu.memory_space<semaphore_mem>>) {add = true}
        %dma_wait3A_136 = arith.constant 0 : i32
        %dma_wait3A_137 = arith.constant 0 : i32
        %dma_wait3A_138 = tpu.memref_slice %arg13[%dma_wait3A_136, %dma_wait3A_137] : memref<10000x128xf32, #tpu.memory_space<vmem_shared>> -> memref<10000x128xf32, #tpu.memory_space<vmem_shared>>
        tpu.wait_indirect_dma semaphore(%run_scoped3A : memref<!tpu.dma_semaphore, #tpu.memory_space<semaphore_mem>>) src(%arg9 : memref<80x128xf32, #tpu.memory_space<vmem>>) dst(%dma_wait3A_138 : memref<10000x128xf32, #tpu.memory_space<vmem_shared>>)
        tpu.yield
      }) : () -> ()
      %add3A_119 = arith.constant 2 : i32
      %add3A_120 = arith.addi %mul3A_104, %add3A_119 : i32
      %lt3A_121 = arith.constant 125 : i32
      %lt3A_122 = arith.cmpi slt, %add3A_120, %lt3A_121 : i32
      %convert_element_type3A = arith.extui %lt3A_122 : i1 to i32
      %cond3A = arith.constant 0 : i32
      %cond3A_123 = arith.cmpi ne, %convert_element_type3A, %cond3A : i32
      scf.if %cond3A_123 {
        %add3A_133 = arith.constant 2 : i32
        %add3A_134 = arith.addi %mul3A_104, %add3A_133 : i32
        %mul3A_135 = arith.constant 80 : i32
        %mul3A_136 = arith.muli %add3A_134, %mul3A_135 : i32
        %add3A_137 = arith.addi %mul3A_7, %mul3A_136 : i32
        "tpu.region"() ({
          %run_scoped3A = tpu.sem_alloc : memref<!tpu.dma_semaphore, #tpu.memory_space<semaphore_mem>>
          %dma_start3A_141 = tpu.memref_slice %arg3[%add3A_137] : memref<320000xi32, #tpu.memory_space<hbm>> -> memref<80xi32, #tpu.memory_space<hbm>>
          %dma_start3A_142 = tpu.memref_slice %arg3[%add3A_137] : memref<320000xi32, #tpu.memory_space<hbm>> -> memref<80xi32, #tpu.memory_space<hbm>>
          tpu.enqueue_dma source(%dma_start3A_142 : memref<80xi32, #tpu.memory_space<hbm>>) target(%arg7 : memref<80xi32, #tpu.memory_space<vmem>>) target_semaphore(%run_scoped3A : memref<!tpu.dma_semaphore, #tpu.memory_space<semaphore_mem>>)
          %dma_wait3A_143 = tpu.memref_slice %arg3[%add3A_137] : memref<320000xi32, #tpu.memory_space<hbm>> -> memref<80xi32, #tpu.memory_space<hbm>>
          %dma_wait3A_144 = tpu.memref_slice %arg3[%add3A_137] : memref<320000xi32, #tpu.memory_space<hbm>> -> memref<80xi32, #tpu.memory_space<hbm>>
          tpu.wait_dma2 semaphore(%run_scoped3A : memref<!tpu.dma_semaphore, #tpu.memory_space<semaphore_mem>>) src(%dma_wait3A_144 : memref<80xi32, #tpu.memory_space<hbm>>) dst(%arg7 : memref<80xi32, #tpu.memory_space<vmem>>)
          tpu.yield
        }) : () -> ()
        %dma_start3A_138 = arith.constant 0 : i32
        %dma_start3A_139 = arith.constant 0 : i32
        %dma_start3A_140 = tpu.memref_slice %arg2[%dma_start3A_138, %dma_start3A_139] : memref<10000x128xf32, #tpu.memory_space<hbm>> -> memref<10000x128xf32, #tpu.memory_space<hbm>>
        tpu.enqueue_indirect_dma source(%dma_start3A_140 : memref<10000x128xf32, #tpu.memory_space<hbm>>) target(%arg9 : memref<80x128xf32, #tpu.memory_space<vmem>>) offsets(%arg7 : memref<80xi32, #tpu.memory_space<vmem>>) semaphore(%arg14 : memref<!tpu.dma_semaphore, #tpu.memory_space<semaphore_mem>>)
      } else {
      }
      %add3A_124 = arith.constant 1 : i32
      %add3A_125 = arith.addi %mul3A_104, %add3A_124 : i32
      %mul3A_126 = arith.constant 80 : i32
      %mul3A_127 = arith.muli %add3A_125, %mul3A_126 : i32
      %add3A_128 = arith.addi %mul3A_7, %mul3A_127 : i32
      "tpu.region"() ({
        %run_scoped3A = tpu.sem_alloc : memref<!tpu.dma_semaphore, #tpu.memory_space<semaphore_mem>>
        %dma_start3A_133 = tpu.memref_slice %arg4[%add3A_128] : memref<320000xi32, #tpu.memory_space<hbm>> -> memref<80xi32, #tpu.memory_space<hbm>>
        %dma_start3A_134 = tpu.memref_slice %arg4[%add3A_128] : memref<320000xi32, #tpu.memory_space<hbm>> -> memref<80xi32, #tpu.memory_space<hbm>>
        tpu.enqueue_dma source(%dma_start3A_134 : memref<80xi32, #tpu.memory_space<hbm>>) target(%arg11 : memref<80xi32, #tpu.memory_space<vmem>>) target_semaphore(%run_scoped3A : memref<!tpu.dma_semaphore, #tpu.memory_space<semaphore_mem>>)
        %dma_wait3A_135 = tpu.memref_slice %arg4[%add3A_128] : memref<320000xi32, #tpu.memory_space<hbm>> -> memref<80xi32, #tpu.memory_space<hbm>>
        %dma_wait3A_136 = tpu.memref_slice %arg4[%add3A_128] : memref<320000xi32, #tpu.memory_space<hbm>> -> memref<80xi32, #tpu.memory_space<hbm>>
        tpu.wait_dma2 semaphore(%run_scoped3A : memref<!tpu.dma_semaphore, #tpu.memory_space<semaphore_mem>>) src(%dma_wait3A_136 : memref<80xi32, #tpu.memory_space<hbm>>) dst(%arg11 : memref<80xi32, #tpu.memory_space<vmem>>)
        tpu.yield
      }) : () -> ()
      %dma_wait3A_129 = arith.constant 0 : i32
      %dma_wait3A_130 = arith.constant 0 : i32
      %dma_wait3A_131 = tpu.memref_slice %arg2[%dma_wait3A_129, %dma_wait3A_130] : memref<10000x128xf32, #tpu.memory_space<hbm>> -> memref<10000x128xf32, #tpu.memory_space<hbm>>
      tpu.wait_indirect_dma semaphore(%arg15 : memref<!tpu.dma_semaphore, #tpu.memory_space<semaphore_mem>>) src(%dma_wait3A_131 : memref<10000x128xf32, #tpu.memory_space<hbm>>) dst(%arg12 : memref<80x128xf32, #tpu.memory_space<vmem>>)
      "tpu.region"() ({
        %run_scoped3A = tpu.sem_alloc : memref<!tpu.dma_semaphore, #tpu.memory_space<semaphore_mem>>
        %dma_start3A_133 = arith.constant 0 : i32
        %dma_start3A_134 = arith.constant 0 : i32
        %dma_start3A_135 = tpu.memref_slice %arg13[%dma_start3A_133, %dma_start3A_134] : memref<10000x128xf32, #tpu.memory_space<vmem_shared>> -> memref<10000x128xf32, #tpu.memory_space<vmem_shared>>
        tpu.enqueue_indirect_dma source(%arg12 : memref<80x128xf32, #tpu.memory_space<vmem>>) target(%dma_start3A_135 : memref<10000x128xf32, #tpu.memory_space<vmem_shared>>) offsets(%arg11 : memref<80xi32, #tpu.memory_space<vmem>>) semaphore(%run_scoped3A : memref<!tpu.dma_semaphore, #tpu.memory_space<semaphore_mem>>) {add = true}
        %dma_wait3A_136 = arith.constant 0 : i32
        %dma_wait3A_137 = arith.constant 0 : i32
        %dma_wait3A_138 = tpu.memref_slice %arg13[%dma_wait3A_136, %dma_wait3A_137] : memref<10000x128xf32, #tpu.memory_space<vmem_shared>> -> memref<10000x128xf32, #tpu.memory_space<vmem_shared>>
        tpu.wait_indirect_dma semaphore(%run_scoped3A : memref<!tpu.dma_semaphore, #tpu.memory_space<semaphore_mem>>) src(%arg12 : memref<80x128xf32, #tpu.memory_space<vmem>>) dst(%dma_wait3A_138 : memref<10000x128xf32, #tpu.memory_space<vmem_shared>>)
        tpu.yield
      }) : () -> ()
      %scan3A_132 = arith.constant 0 : i32
      scf.yield %scan3A_132 : i32
    }
    %scan3A_35 = arith.constant 62 : i32
    %add3A_36 = arith.constant 9920 : i32
    %add3A_37 = arith.addi %mul3A_7, %add3A_36 : i32
    "tpu.region"() ({
      %run_scoped3A = tpu.sem_alloc : memref<!tpu.dma_semaphore, #tpu.memory_space<semaphore_mem>>
      %dma_start3A_101 = tpu.memref_slice %arg4[%add3A_37] : memref<320000xi32, #tpu.memory_space<hbm>> -> memref<80xi32, #tpu.memory_space<hbm>>
      %dma_start3A_102 = tpu.memref_slice %arg4[%add3A_37] : memref<320000xi32, #tpu.memory_space<hbm>> -> memref<80xi32, #tpu.memory_space<hbm>>
      tpu.enqueue_dma source(%dma_start3A_102 : memref<80xi32, #tpu.memory_space<hbm>>) target(%arg8 : memref<80xi32, #tpu.memory_space<vmem>>) target_semaphore(%run_scoped3A : memref<!tpu.dma_semaphore, #tpu.memory_space<semaphore_mem>>)
      %dma_wait3A_103 = tpu.memref_slice %arg4[%add3A_37] : memref<320000xi32, #tpu.memory_space<hbm>> -> memref<80xi32, #tpu.memory_space<hbm>>
      %dma_wait3A_104 = tpu.memref_slice %arg4[%add3A_37] : memref<320000xi32, #tpu.memory_space<hbm>> -> memref<80xi32, #tpu.memory_space<hbm>>
      tpu.wait_dma2 semaphore(%run_scoped3A : memref<!tpu.dma_semaphore, #tpu.memory_space<semaphore_mem>>) src(%dma_wait3A_104 : memref<80xi32, #tpu.memory_space<hbm>>) dst(%arg8 : memref<80xi32, #tpu.memory_space<vmem>>)
      tpu.yield
    }) : () -> ()
    %dma_wait3A = arith.constant 0 : i32
    %dma_wait3A_38 = arith.constant 0 : i32
    %dma_wait3A_39 = tpu.memref_slice %arg2[%dma_wait3A, %dma_wait3A_38] : memref<10000x128xf32, #tpu.memory_space<hbm>> -> memref<10000x128xf32, #tpu.memory_space<hbm>>
    tpu.wait_indirect_dma semaphore(%arg14 : memref<!tpu.dma_semaphore, #tpu.memory_space<semaphore_mem>>) src(%dma_wait3A_39 : memref<10000x128xf32, #tpu.memory_space<hbm>>) dst(%arg9 : memref<80x128xf32, #tpu.memory_space<vmem>>)
    "tpu.region"() ({
      %run_scoped3A = tpu.sem_alloc : memref<!tpu.dma_semaphore, #tpu.memory_space<semaphore_mem>>
      %dma_start3A_101 = arith.constant 0 : i32
      %dma_start3A_102 = arith.constant 0 : i32
      %dma_start3A_103 = tpu.memref_slice %arg13[%dma_start3A_101, %dma_start3A_102] : memref<10000x128xf32, #tpu.memory_space<vmem_shared>> -> memref<10000x128xf32, #tpu.memory_space<vmem_shared>>
      tpu.enqueue_indirect_dma source(%arg9 : memref<80x128xf32, #tpu.memory_space<vmem>>) target(%dma_start3A_103 : memref<10000x128xf32, #tpu.memory_space<vmem_shared>>) offsets(%arg8 : memref<80xi32, #tpu.memory_space<vmem>>) semaphore(%run_scoped3A : memref<!tpu.dma_semaphore, #tpu.memory_space<semaphore_mem>>) {add = true}
      %dma_wait3A_104 = arith.constant 0 : i32
      %dma_wait3A_105 = arith.constant 0 : i32
      %dma_wait3A_106 = tpu.memref_slice %arg13[%dma_wait3A_104, %dma_wait3A_105] : memref<10000x128xf32, #tpu.memory_space<vmem_shared>> -> memref<10000x128xf32, #tpu.memory_space<vmem_shared>>
      tpu.wait_indirect_dma semaphore(%run_scoped3A : memref<!tpu.dma_semaphore, #tpu.memory_space<semaphore_mem>>) src(%arg9 : memref<80x128xf32, #tpu.memory_space<vmem>>) dst(%dma_wait3A_106 : memref<10000x128xf32, #tpu.memory_space<vmem_shared>>)
      tpu.yield
    }) : () -> ()
    %barrier3A_40 = arith.constant 0 : index
    tpu.barrier barrier_id(%barrier3A_40)
    %while3A_41 = arith.constant 0 : i32
    %while3A_42 = arith.constant 0 : i32
    %while3A_43 = arith.subi %select_n3A, %while3A_41 : i32
    %while3A_44 = arith.addi %while3A_41, %while3A_43 : i32
    %while3A_45 = arith.constant 1 : i32
    %while3A_46 = arith.divsi %while3A_43, %while3A_45 : i32
    %while3A_47 = arith.muli %while3A_46, %while3A_45 : i32
    %while3A_48 = arith.addi %while3A_41, %while3A_47 : i32
    %while3A_49 = arith.constant 1 : i32
    %while3A_50 = scf.for %while3A_101 = %while3A_41 to %while3A_48 step %while3A_49 iter_args(%while3A_102 = %while3A_42) -> (i32)  : i32 {
      %mul3A_103 = arith.constant 16 : i32
      %mul3A_104 = arith.muli %while3A_101, %mul3A_103 : i32
      %add3A_105 = arith.addi %arg1, %mul3A_104 : i32
      %mul3A_106 = arith.constant 80 : i32
      %mul3A_107 = arith.muli %add3A_105, %mul3A_106 : i32
      "tpu.region"() ({
        %run_scoped3A = tpu.sem_alloc : memref<!tpu.dma_semaphore, #tpu.memory_space<semaphore_mem>>
        %dma_start3A_109 = arith.constant 0 : i32
        %dma_start3A_110 = tpu.memref_slice %arg13[%mul3A_107, %dma_start3A_109] : memref<10000x128xf32, #tpu.memory_space<vmem_shared>> -> memref<80x128xf32, #tpu.memory_space<vmem_shared>>
        %dma_start3A_111 = arith.constant 0 : i32
        %dma_start3A_112 = tpu.memref_slice %arg13[%mul3A_107, %dma_start3A_111] : memref<10000x128xf32, #tpu.memory_space<vmem_shared>> -> memref<80x128xf32, #tpu.memory_space<vmem_shared>>
        tpu.enqueue_dma source(%dma_start3A_112 : memref<80x128xf32, #tpu.memory_space<vmem_shared>>) target(%arg9 : memref<80x128xf32, #tpu.memory_space<vmem>>) target_semaphore(%run_scoped3A : memref<!tpu.dma_semaphore, #tpu.memory_space<semaphore_mem>>)
        %dma_wait3A_113 = arith.constant 0 : i32
        %dma_wait3A_114 = tpu.memref_slice %arg13[%mul3A_107, %dma_wait3A_113] : memref<10000x128xf32, #tpu.memory_space<vmem_shared>> -> memref<80x128xf32, #tpu.memory_space<vmem_shared>>
        %dma_wait3A_115 = arith.constant 0 : i32
        %dma_wait3A_116 = tpu.memref_slice %arg13[%mul3A_107, %dma_wait3A_115] : memref<10000x128xf32, #tpu.memory_space<vmem_shared>> -> memref<80x128xf32, #tpu.memory_space<vmem_shared>>
        tpu.wait_dma2 semaphore(%run_scoped3A : memref<!tpu.dma_semaphore, #tpu.memory_space<semaphore_mem>>) src(%dma_wait3A_116 : memref<80x128xf32, #tpu.memory_space<vmem_shared>>) dst(%arg9 : memref<80x128xf32, #tpu.memory_space<vmem>>)
        tpu.yield
      }) : () -> ()
      "tpu.region"() ({
        %run_scoped3A = tpu.sem_alloc : memref<!tpu.dma_semaphore, #tpu.memory_space<semaphore_mem>>
        %dma_start3A_109 = arith.constant 0 : i32
        %dma_start3A_110 = arith.constant 0 : i32
        %dma_start3A_111 = tpu.memref_slice %arg5[%arg0, %dma_start3A_109, %dma_start3A_110] : memref<2x10000x128xf32, #tpu.memory_space<hbm>> -> memref<1x10000x128xf32, #tpu.memory_space<hbm>>
        %dma_start3A_112 = tpu.memref_squeeze %dma_start3A_111 : memref<1x10000x128xf32, #tpu.memory_space<hbm>> -> memref<10000x128xf32, #tpu.memory_space<hbm>>
        %dma_start3A_113 = arith.constant 0 : i32
        %dma_start3A_114 = tpu.memref_slice %dma_start3A_112[%mul3A_107, %dma_start3A_113] : memref<10000x128xf32, #tpu.memory_space<hbm>> -> memref<80x128xf32, #tpu.memory_space<hbm>>
        %dma_start3A_115 = arith.constant 0 : i32
        %dma_start3A_116 = arith.constant 0 : i32
        %dma_start3A_117 = tpu.memref_slice %arg5[%arg0, %dma_start3A_115, %dma_start3A_116] : memref<2x10000x128xf32, #tpu.memory_space<hbm>> -> memref<1x10000x128xf32, #tpu.memory_space<hbm>>
        %dma_start3A_118 = tpu.memref_squeeze %dma_start3A_117 : memref<1x10000x128xf32, #tpu.memory_space<hbm>> -> memref<10000x128xf32, #tpu.memory_space<hbm>>
        %dma_start3A_119 = arith.constant 0 : i32
        %dma_start3A_120 = tpu.memref_slice %dma_start3A_118[%mul3A_107, %dma_start3A_119] : memref<10000x128xf32, #tpu.memory_space<hbm>> -> memref<80x128xf32, #tpu.memory_space<hbm>>
        tpu.enqueue_dma source(%arg9 : memref<80x128xf32, #tpu.memory_space<vmem>>) target(%dma_start3A_120 : memref<80x128xf32, #tpu.memory_space<hbm>>) target_semaphore(%run_scoped3A : memref<!tpu.dma_semaphore, #tpu.memory_space<semaphore_mem>>)
        %dma_wait3A_121 = arith.constant 0 : i32
        %dma_wait3A_122 = arith.constant 0 : i32
        %dma_wait3A_123 = tpu.memref_slice %arg5[%arg0, %dma_wait3A_121, %dma_wait3A_122] : memref<2x10000x128xf32, #tpu.memory_space<hbm>> -> memref<1x10000x128xf32, #tpu.memory_space<hbm>>
        %dma_wait3A_124 = tpu.memref_squeeze %dma_wait3A_123 : memref<1x10000x128xf32, #tpu.memory_space<hbm>> -> memref<10000x128xf32, #tpu.memory_space<hbm>>
        %dma_wait3A_125 = arith.constant 0 : i32
        %dma_wait3A_126 = tpu.memref_slice %dma_wait3A_124[%mul3A_107, %dma_wait3A_125] : memref<10000x128xf32, #tpu.memory_space<hbm>> -> memref<80x128xf32, #tpu.memory_space<hbm>>
        %dma_wait3A_127 = arith.constant 0 : i32
        %dma_wait3A_128 = arith.constant 0 : i32
        %dma_wait3A_129 = tpu.memref_slice %arg5[%arg0, %dma_wait3A_127, %dma_wait3A_128] : memref<2x10000x128xf32, #tpu.memory_space<hbm>> -> memref<1x10000x128xf32, #tpu.memory_space<hbm>>
        %dma_wait3A_130 = tpu.memref_squeeze %dma_wait3A_129 : memref<1x10000x128xf32, #tpu.memory_space<hbm>> -> memref<10000x128xf32, #tpu.memory_space<hbm>>
        %dma_wait3A_131 = arith.constant 0 : i32
        %dma_wait3A_132 = tpu.memref_slice %dma_wait3A_130[%mul3A_107, %dma_wait3A_131] : memref<10000x128xf32, #tpu.memory_space<hbm>> -> memref<80x128xf32, #tpu.memory_space<hbm>>
        tpu.wait_dma2 semaphore(%run_scoped3A : memref<!tpu.dma_semaphore, #tpu.memory_space<semaphore_mem>>) src(%arg9 : memref<80x128xf32, #tpu.memory_space<vmem>>) dst(%dma_wait3A_132 : memref<80x128xf32, #tpu.memory_space<hbm>>)
        tpu.yield
      }) : () -> ()
      %while3A_108 = arith.constant 0 : i32
      scf.yield %while3A_108 : i32
    }
    %while3A_51 = arith.constant 1 : i32
    %while3A_52 = scf.for %while3A_101 = %while3A_48 to %while3A_44 step %while3A_51 iter_args(%while3A_102 = %while3A_50) -> (i32)  : i32 {
      %mul3A_103 = arith.constant 16 : i32
      %mul3A_104 = arith.muli %while3A_101, %mul3A_103 : i32
      %add3A_105 = arith.addi %arg1, %mul3A_104 : i32
      %mul3A_106 = arith.constant 80 : i32
      %mul3A_107 = arith.muli %add3A_105, %mul3A_106 : i32
      "tpu.region"() ({
        %run_scoped3A = tpu.sem_alloc : memref<!tpu.dma_semaphore, #tpu.memory_space<semaphore_mem>>
        %dma_start3A_109 = arith.constant 0 : i32
        %dma_start3A_110 = tpu.memref_slice %arg13[%mul3A_107, %dma_start3A_109] : memref<10000x128xf32, #tpu.memory_space<vmem_shared>> -> memref<80x128xf32, #tpu.memory_space<vmem_shared>>
        %dma_start3A_111 = arith.constant 0 : i32
        %dma_start3A_112 = tpu.memref_slice %arg13[%mul3A_107, %dma_start3A_111] : memref<10000x128xf32, #tpu.memory_space<vmem_shared>> -> memref<80x128xf32, #tpu.memory_space<vmem_shared>>
        tpu.enqueue_dma source(%dma_start3A_112 : memref<80x128xf32, #tpu.memory_space<vmem_shared>>) target(%arg9 : memref<80x128xf32, #tpu.memory_space<vmem>>) target_semaphore(%run_scoped3A : memref<!tpu.dma_semaphore, #tpu.memory_space<semaphore_mem>>)
        %dma_wait3A_113 = arith.constant 0 : i32
        %dma_wait3A_114 = tpu.memref_slice %arg13[%mul3A_107, %dma_wait3A_113] : memref<10000x128xf32, #tpu.memory_space<vmem_shared>> -> memref<80x128xf32, #tpu.memory_space<vmem_shared>>
        %dma_wait3A_115 = arith.constant 0 : i32
        %dma_wait3A_116 = tpu.memref_slice %arg13[%mul3A_107, %dma_wait3A_115] : memref<10000x128xf32, #tpu.memory_space<vmem_shared>> -> memref<80x128xf32, #tpu.memory_space<vmem_shared>>
        tpu.wait_dma2 semaphore(%run_scoped3A : memref<!tpu.dma_semaphore, #tpu.memory_space<semaphore_mem>>) src(%dma_wait3A_116 : memref<80x128xf32, #tpu.memory_space<vmem_shared>>) dst(%arg9 : memref<80x128xf32, #tpu.memory_space<vmem>>)
        tpu.yield
      }) : () -> ()
      "tpu.region"() ({
        %run_scoped3A = tpu.sem_alloc : memref<!tpu.dma_semaphore, #tpu.memory_space<semaphore_mem>>
        %dma_start3A_109 = arith.constant 0 : i32
        %dma_start3A_110 = arith.constant 0 : i32
        %dma_start3A_111 = tpu.memref_slice %arg5[%arg0, %dma_start3A_109, %dma_start3A_110] : memref<2x10000x128xf32, #tpu.memory_space<hbm>> -> memref<1x10000x128xf32, #tpu.memory_space<hbm>>
        %dma_start3A_112 = tpu.memref_squeeze %dma_start3A_111 : memref<1x10000x128xf32, #tpu.memory_space<hbm>> -> memref<10000x128xf32, #tpu.memory_space<hbm>>
        %dma_start3A_113 = arith.constant 0 : i32
        %dma_start3A_114 = tpu.memref_slice %dma_start3A_112[%mul3A_107, %dma_start3A_113] : memref<10000x128xf32, #tpu.memory_space<hbm>> -> memref<80x128xf32, #tpu.memory_space<hbm>>
        %dma_start3A_115 = arith.constant 0 : i32
        %dma_start3A_116 = arith.constant 0 : i32
        %dma_start3A_117 = tpu.memref_slice %arg5[%arg0, %dma_start3A_115, %dma_start3A_116] : memref<2x10000x128xf32, #tpu.memory_space<hbm>> -> memref<1x10000x128xf32, #tpu.memory_space<hbm>>
        %dma_start3A_118 = tpu.memref_squeeze %dma_start3A_117 : memref<1x10000x128xf32, #tpu.memory_space<hbm>> -> memref<10000x128xf32, #tpu.memory_space<hbm>>
        %dma_start3A_119 = arith.constant 0 : i32
        %dma_start3A_120 = tpu.memref_slice %dma_start3A_118[%mul3A_107, %dma_start3A_119] : memref<10000x128xf32, #tpu.memory_space<hbm>> -> memref<80x128xf32, #tpu.memory_space<hbm>>
        tpu.enqueue_dma source(%arg9 : memref<80x128xf32, #tpu.memory_space<vmem>>) target(%dma_start3A_120 : memref<80x128xf32, #tpu.memory_space<hbm>>) target_semaphore(%run_scoped3A : memref<!tpu.dma_semaphore, #tpu.memory_space<semaphore_mem>>)
        %dma_wait3A_121 = arith.constant 0 : i32
        %dma_wait3A_122 = arith.constant 0 : i32
        %dma_wait3A_123 = tpu.memref_slice %arg5[%arg0, %dma_wait3A_121, %dma_wait3A_122] : memref<2x10000x128xf32, #tpu.memory_space<hbm>> -> memref<1x10000x128xf32, #tpu.memory_space<hbm>>
        %dma_wait3A_124 = tpu.memref_squeeze %dma_wait3A_123 : memref<1x10000x128xf32, #tpu.memory_space<hbm>> -> memref<10000x128xf32, #tpu.memory_space<hbm>>
        %dma_wait3A_125 = arith.constant 0 : i32
        %dma_wait3A_126 = tpu.memref_slice %dma_wait3A_124[%mul3A_107, %dma_wait3A_125] : memref<10000x128xf32, #tpu.memory_space<hbm>> -> memref<80x128xf32, #tpu.memory_space<hbm>>
        %dma_wait3A_127 = arith.constant 0 : i32
        %dma_wait3A_128 = arith.constant 0 : i32
        %dma_wait3A_129 = tpu.memref_slice %arg5[%arg0, %dma_wait3A_127, %dma_wait3A_128] : memref<2x10000x128xf32, #tpu.memory_space<hbm>> -> memref<1x10000x128xf32, #tpu.memory_space<hbm>>
        %dma_wait3A_130 = tpu.memref_squeeze %dma_wait3A_129 : memref<1x10000x128xf32, #tpu.memory_space<hbm>> -> memref<10000x128xf32, #tpu.memory_space<hbm>>
        %dma_wait3A_131 = arith.constant 0 : i32
        %dma_wait3A_132 = tpu.memref_slice %dma_wait3A_130[%mul3A_107, %dma_wait3A_131] : memref<10000x128xf32, #tpu.memory_space<hbm>> -> memref<80x128xf32, #tpu.memory_space<hbm>>
        tpu.wait_dma2 semaphore(%run_scoped3A : memref<!tpu.dma_semaphore, #tpu.memory_space<semaphore_mem>>) src(%arg9 : memref<80x128xf32, #tpu.memory_space<vmem>>) dst(%dma_wait3A_132 : memref<80x128xf32, #tpu.memory_space<hbm>>)
        tpu.yield
      }) : () -> ()
      %while3A_108 = arith.constant 0 : i32
      scf.yield %while3A_108 : i32
    }
    %barrier3A_53 = arith.constant 0 : index
    tpu.barrier barrier_id(%barrier3A_53)
    %scan3A_54 = arith.constant 0 : i32
    %scan3A_55 = arith.constant 0 : i32
    %scan3A_56 = arith.constant 80 : i32
    %scan3A_57 = arith.addi %scan3A_55, %scan3A_56 : i32
    %scan3A_58 = arith.constant 1 : i32
    %scan3A_59 = scf.for %scan3A_101 = %scan3A_55 to %scan3A_57 step %scan3A_58 iter_args(%scan3A_102 = %scan3A_54) -> (i32)  : i32 {
      %swap3A = arith.index_cast %scan3A_101 : i32 to index
      %swap3A_103 = arith.constant 0 : index
      %swap3A_104 = tpu.vector_load %arg9[%swap3A, %swap3A_103] {strides = array<i32>} : memref<80x128xf32, #tpu.memory_space<vmem>>, vector<1x16xf32>,
      %swap3A_105 = vector.shape_cast %swap3A_104 : vector<1x16xf32> to vector<16xf32>
      %swap3A_106 = vector.shape_cast %broadcast_in_dim3A_1 : vector<16xf32> to vector<1x16xf32>
      tpu.vector_store %arg9[%swap3A, %swap3A_103], %swap3A_106 {strides = array<i32>} : memref<80x128xf32, #tpu.memory_space<vmem>>, vector<1x16xf32>,
      %swap3A_107 = arith.index_cast %scan3A_101 : i32 to index
      %swap3A_108 = arith.constant 16 : index
      %swap3A_109 = tpu.vector_load %arg9[%swap3A_107, %swap3A_108] {strides = array<i32>} : memref<80x128xf32, #tpu.memory_space<vmem>>, vector<1x16xf32>,
      %swap3A_110 = vector.shape_cast %swap3A_109 : vector<1x16xf32> to vector<16xf32>
      %swap3A_111 = vector.shape_cast %broadcast_in_dim3A_1 : vector<16xf32> to vector<1x16xf32>
      tpu.vector_store %arg9[%swap3A_107, %swap3A_108], %swap3A_111 {strides = array<i32>} : memref<80x128xf32, #tpu.memory_space<vmem>>, vector<1x16xf32>,
      %swap3A_112 = arith.index_cast %scan3A_101 : i32 to index
      %swap3A_113 = arith.constant 32 : index
      %swap3A_114 = tpu.vector_load %arg9[%swap3A_112, %swap3A_113] {strides = array<i32>} : memref<80x128xf32, #tpu.memory_space<vmem>>, vector<1x16xf32>,
      %swap3A_115 = vector.shape_cast %swap3A_114 : vector<1x16xf32> to vector<16xf32>
      %swap3A_116 = vector.shape_cast %broadcast_in_dim3A_1 : vector<16xf32> to vector<1x16xf32>
      tpu.vector_store %arg9[%swap3A_112, %swap3A_113], %swap3A_116 {strides = array<i32>} : memref<80x128xf32, #tpu.memory_space<vmem>>, vector<1x16xf32>,
      %swap3A_117 = arith.index_cast %scan3A_101 : i32 to index
      %swap3A_118 = arith.constant 48 : index
      %swap3A_119 = tpu.vector_load %arg9[%swap3A_117, %swap3A_118] {strides = array<i32>} : memref<80x128xf32, #tpu.memory_space<vmem>>, vector<1x16xf32>,
      %swap3A_120 = vector.shape_cast %swap3A_119 : vector<1x16xf32> to vector<16xf32>
      %swap3A_121 = vector.shape_cast %broadcast_in_dim3A_1 : vector<16xf32> to vector<1x16xf32>
      tpu.vector_store %arg9[%swap3A_117, %swap3A_118], %swap3A_121 {strides = array<i32>} : memref<80x128xf32, #tpu.memory_space<vmem>>, vector<1x16xf32>,
      %swap3A_122 = arith.index_cast %scan3A_101 : i32 to index
      %swap3A_123 = arith.constant 64 : index
      %swap3A_124 = tpu.vector_load %arg9[%swap3A_122, %swap3A_123] {strides = array<i32>} : memref<80x128xf32, #tpu.memory_space<vmem>>, vector<1x16xf32>,
      %swap3A_125 = vector.shape_cast %swap3A_124 : vector<1x16xf32> to vector<16xf32>
      %swap3A_126 = vector.shape_cast %broadcast_in_dim3A_1 : vector<16xf32> to vector<1x16xf32>
      tpu.vector_store %arg9[%swap3A_122, %swap3A_123], %swap3A_126 {strides = array<i32>} : memref<80x128xf32, #tpu.memory_space<vmem>>, vector<1x16xf32>,
      %swap3A_127 = arith.index_cast %scan3A_101 : i32 to index
      %swap3A_128 = arith.constant 80 : index
      %swap3A_129 = tpu.vector_load %arg9[%swap3A_127, %swap3A_128] {strides = array<i32>} : memref<80x128xf32, #tpu.memory_space<vmem>>, vector<1x16xf32>,
      %swap3A_130 = vector.shape_cast %swap3A_129 : vector<1x16xf32> to vector<16xf32>
      %swap3A_131 = vector.shape_cast %broadcast_in_dim3A_1 : vector<16xf32> to vector<1x16xf32>
      tpu.vector_store %arg9[%swap3A_127, %swap3A_128], %swap3A_131 {strides = array<i32>} : memref<80x128xf32, #tpu.memory_space<vmem>>, vector<1x16xf32>,
      %swap3A_132 = arith.index_cast %scan3A_101 : i32 to index
      %swap3A_133 = arith.constant 96 : index
      %swap3A_134 = tpu.vector_load %arg9[%swap3A_132, %swap3A_133] {strides = array<i32>} : memref<80x128xf32, #tpu.memory_space<vmem>>, vector<1x16xf32>,
      %swap3A_135 = vector.shape_cast %swap3A_134 : vector<1x16xf32> to vector<16xf32>
      %swap3A_136 = vector.shape_cast %broadcast_in_dim3A_1 : vector<16xf32> to vector<1x16xf32>
      tpu.vector_store %arg9[%swap3A_132, %swap3A_133], %swap3A_136 {strides = array<i32>} : memref<80x128xf32, #tpu.memory_space<vmem>>, vector<1x16xf32>,
      %swap3A_137 = arith.index_cast %scan3A_101 : i32 to index
      %swap3A_138 = arith.constant 112 : index
      %swap3A_139 = tpu.vector_load %arg9[%swap3A_137, %swap3A_138] {strides = array<i32>} : memref<80x128xf32, #tpu.memory_space<vmem>>, vector<1x16xf32>,
      %swap3A_140 = vector.shape_cast %swap3A_139 : vector<1x16xf32> to vector<16xf32>
      %swap3A_141 = vector.shape_cast %broadcast_in_dim3A_1 : vector<16xf32> to vector<1x16xf32>
      tpu.vector_store %arg9[%swap3A_137, %swap3A_138], %swap3A_141 {strides = array<i32>} : memref<80x128xf32, #tpu.memory_space<vmem>>, vector<1x16xf32>,
      %scan3A_142 = arith.constant 0 : i32
      scf.yield %scan3A_142 : i32
    }
    %scan3A_60 = arith.constant 80 : i32
    %while3A_61 = arith.constant 0 : i32
    %while3A_62 = arith.constant 0 : i32
    %while3A_63 = arith.subi %select_n3A, %while3A_61 : i32
    %while3A_64 = arith.addi %while3A_61, %while3A_63 : i32
    %while3A_65 = arith.constant 1 : i32
    %while3A_66 = arith.divsi %while3A_63, %while3A_65 : i32
    %while3A_67 = arith.muli %while3A_66, %while3A_65 : i32
    %while3A_68 = arith.addi %while3A_61, %while3A_67 : i32
    %while3A_69 = arith.constant 1 : i32
    %while3A_70 = scf.for %while3A_101 = %while3A_61 to %while3A_68 step %while3A_69 iter_args(%while3A_102 = %while3A_62) -> (i32)  : i32 {
      %mul3A_103 = arith.constant 16 : i32
      %mul3A_104 = arith.muli %while3A_101, %mul3A_103 : i32
      %add3A_105 = arith.addi %arg1, %mul3A_104 : i32
      %mul3A_106 = arith.constant 80 : i32
      %mul3A_107 = arith.muli %add3A_105, %mul3A_106 : i32
      "tpu.region"() ({
        %run_scoped3A = tpu.sem_alloc : memref<!tpu.dma_semaphore, #tpu.memory_space<semaphore_mem>>
        %dma_start3A_109 = arith.constant 0 : i32
        %dma_start3A_110 = tpu.memref_slice %arg13[%mul3A_107, %dma_start3A_109] : memref<10000x128xf32, #tpu.memory_space<vmem_shared>> -> memref<80x128xf32, #tpu.memory_space<vmem_shared>>
        %dma_start3A_111 = arith.constant 0 : i32
        %dma_start3A_112 = tpu.memref_slice %arg13[%mul3A_107, %dma_start3A_111] : memref<10000x128xf32, #tpu.memory_space<vmem_shared>> -> memref<80x128xf32, #tpu.memory_space<vmem_shared>>
        tpu.enqueue_dma source(%arg9 : memref<80x128xf32, #tpu.memory_space<vmem>>) target(%dma_start3A_112 : memref<80x128xf32, #tpu.memory_space<vmem_shared>>) target_semaphore(%run_scoped3A : memref<!tpu.dma_semaphore, #tpu.memory_space<semaphore_mem>>)
        %dma_wait3A_113 = arith.constant 0 : i32
        %dma_wait3A_114 = tpu.memref_slice %arg13[%mul3A_107, %dma_wait3A_113] : memref<10000x128xf32, #tpu.memory_space<vmem_shared>> -> memref<80x128xf32, #tpu.memory_space<vmem_shared>>
        %dma_wait3A_115 = arith.constant 0 : i32
        %dma_wait3A_116 = tpu.memref_slice %arg13[%mul3A_107, %dma_wait3A_115] : memref<10000x128xf32, #tpu.memory_space<vmem_shared>> -> memref<80x128xf32, #tpu.memory_space<vmem_shared>>
        tpu.wait_dma2 semaphore(%run_scoped3A : memref<!tpu.dma_semaphore, #tpu.memory_space<semaphore_mem>>) src(%arg9 : memref<80x128xf32, #tpu.memory_space<vmem>>) dst(%dma_wait3A_116 : memref<80x128xf32, #tpu.memory_space<vmem_shared>>)
        tpu.yield
      }) : () -> ()
      %while3A_108 = arith.constant 0 : i32
      scf.yield %while3A_108 : i32
    }
    %while3A_71 = arith.constant 1 : i32
    %while3A_72 = scf.for %while3A_101 = %while3A_68 to %while3A_64 step %while3A_71 iter_args(%while3A_102 = %while3A_70) -> (i32)  : i32 {
      %mul3A_103 = arith.constant 16 : i32
      %mul3A_104 = arith.muli %while3A_101, %mul3A_103 : i32
      %add3A_105 = arith.addi %arg1, %mul3A_104 : i32
      %mul3A_106 = arith.constant 80 : i32
      %mul3A_107 = arith.muli %add3A_105, %mul3A_106 : i32
      "tpu.region"() ({
        %run_scoped3A = tpu.sem_alloc : memref<!tpu.dma_semaphore, #tpu.memory_space<semaphore_mem>>
        %dma_start3A_109 = arith.constant 0 : i32
        %dma_start3A_110 = tpu.memref_slice %arg13[%mul3A_107, %dma_start3A_109] : memref<10000x128xf32, #tpu.memory_space<vmem_shared>> -> memref<80x128xf32, #tpu.memory_space<vmem_shared>>
        %dma_start3A_111 = arith.constant 0 : i32
        %dma_start3A_112 = tpu.memref_slice %arg13[%mul3A_107, %dma_start3A_111] : memref<10000x128xf32, #tpu.memory_space<vmem_shared>> -> memref<80x128xf32, #tpu.memory_space<vmem_shared>>
        tpu.enqueue_dma source(%arg9 : memref<80x128xf32, #tpu.memory_space<vmem>>) target(%dma_start3A_112 : memref<80x128xf32, #tpu.memory_space<vmem_shared>>) target_semaphore(%run_scoped3A : memref<!tpu.dma_semaphore, #tpu.memory_space<semaphore_mem>>)
        %dma_wait3A_113 = arith.constant 0 : i32
        %dma_wait3A_114 = tpu.memref_slice %arg13[%mul3A_107, %dma_wait3A_113] : memref<10000x128xf32, #tpu.memory_space<vmem_shared>> -> memref<80x128xf32, #tpu.memory_space<vmem_shared>>
        %dma_wait3A_115 = arith.constant 0 : i32
        %dma_wait3A_116 = tpu.memref_slice %arg13[%mul3A_107, %dma_wait3A_115] : memref<10000x128xf32, #tpu.memory_space<vmem_shared>> -> memref<80x128xf32, #tpu.memory_space<vmem_shared>>
        tpu.wait_dma2 semaphore(%run_scoped3A : memref<!tpu.dma_semaphore, #tpu.memory_space<semaphore_mem>>) src(%arg9 : memref<80x128xf32, #tpu.memory_space<vmem>>) dst(%dma_wait3A_116 : memref<80x128xf32, #tpu.memory_space<vmem_shared>>)
        tpu.yield
      }) : () -> ()
      %while3A_108 = arith.constant 0 : i32
      scf.yield %while3A_108 : i32
    }
    %scan3A_73 = arith.constant 0 : i32
    %scan3A_74 = arith.constant 0 : i32
    %scan3A_75 = arith.constant 80 : i32
    %scan3A_76 = arith.addi %scan3A_74, %scan3A_75 : i32
    %scan3A_77 = arith.constant 1 : i32
    %scan3A_78 = scf.for %scan3A_101 = %scan3A_74 to %scan3A_76 step %scan3A_77 iter_args(%scan3A_102 = %scan3A_73) -> (i32)  : i32 {
      %swap3A = arith.index_cast %scan3A_101 : i32 to index
      %swap3A_103 = arith.constant 0 : index
      %swap3A_104 = tpu.vector_load %arg9[%swap3A, %swap3A_103] {strides = array<i32>} : memref<80x128xf32, #tpu.memory_space<vmem>>, vector<1x16xf32>,
      %swap3A_105 = vector.shape_cast %swap3A_104 : vector<1x16xf32> to vector<16xf32>
      %swap3A_106 = vector.shape_cast %broadcast_in_dim3A_3 : vector<16xf32> to vector<1x16xf32>
      tpu.vector_store %arg9[%swap3A, %swap3A_103], %swap3A_106 {strides = array<i32>} : memref<80x128xf32, #tpu.memory_space<vmem>>, vector<1x16xf32>,
      %swap3A_107 = arith.index_cast %scan3A_101 : i32 to index
      %swap3A_108 = arith.constant 16 : index
      %swap3A_109 = tpu.vector_load %arg9[%swap3A_107, %swap3A_108] {strides = array<i32>} : memref<80x128xf32, #tpu.memory_space<vmem>>, vector<1x16xf32>,
      %swap3A_110 = vector.shape_cast %swap3A_109 : vector<1x16xf32> to vector<16xf32>
      %swap3A_111 = vector.shape_cast %broadcast_in_dim3A_3 : vector<16xf32> to vector<1x16xf32>
      tpu.vector_store %arg9[%swap3A_107, %swap3A_108], %swap3A_111 {strides = array<i32>} : memref<80x128xf32, #tpu.memory_space<vmem>>, vector<1x16xf32>,
      %swap3A_112 = arith.index_cast %scan3A_101 : i32 to index
      %swap3A_113 = arith.constant 32 : index
      %swap3A_114 = tpu.vector_load %arg9[%swap3A_112, %swap3A_113] {strides = array<i32>} : memref<80x128xf32, #tpu.memory_space<vmem>>, vector<1x16xf32>,
      %swap3A_115 = vector.shape_cast %swap3A_114 : vector<1x16xf32> to vector<16xf32>
      %swap3A_116 = vector.shape_cast %broadcast_in_dim3A_3 : vector<16xf32> to vector<1x16xf32>
      tpu.vector_store %arg9[%swap3A_112, %swap3A_113], %swap3A_116 {strides = array<i32>} : memref<80x128xf32, #tpu.memory_space<vmem>>, vector<1x16xf32>,
      %swap3A_117 = arith.index_cast %scan3A_101 : i32 to index
      %swap3A_118 = arith.constant 48 : index
      %swap3A_119 = tpu.vector_load %arg9[%swap3A_117, %swap3A_118] {strides = array<i32>} : memref<80x128xf32, #tpu.memory_space<vmem>>, vector<1x16xf32>,
      %swap3A_120 = vector.shape_cast %swap3A_119 : vector<1x16xf32> to vector<16xf32>
      %swap3A_121 = vector.shape_cast %broadcast_in_dim3A_3 : vector<16xf32> to vector<1x16xf32>
      tpu.vector_store %arg9[%swap3A_117, %swap3A_118], %swap3A_121 {strides = array<i32>} : memref<80x128xf32, #tpu.memory_space<vmem>>, vector<1x16xf32>,
      %swap3A_122 = arith.index_cast %scan3A_101 : i32 to index
      %swap3A_123 = arith.constant 64 : index
      %swap3A_124 = tpu.vector_load %arg9[%swap3A_122, %swap3A_123] {strides = array<i32>} : memref<80x128xf32, #tpu.memory_space<vmem>>, vector<1x16xf32>,
      %swap3A_125 = vector.shape_cast %swap3A_124 : vector<1x16xf32> to vector<16xf32>
      %swap3A_126 = vector.shape_cast %broadcast_in_dim3A_3 : vector<16xf32> to vector<1x16xf32>
      tpu.vector_store %arg9[%swap3A_122, %swap3A_123], %swap3A_126 {strides = array<i32>} : memref<80x128xf32, #tpu.memory_space<vmem>>, vector<1x16xf32>,
      %swap3A_127 = arith.index_cast %scan3A_101 : i32 to index
      %swap3A_128 = arith.constant 80 : index
      %swap3A_129 = tpu.vector_load %arg9[%swap3A_127, %swap3A_128] {strides = array<i32>} : memref<80x128xf32, #tpu.memory_space<vmem>>, vector<1x16xf32>,
      %swap3A_130 = vector.shape_cast %swap3A_129 : vector<1x16xf32> to vector<16xf32>
      %swap3A_131 = vector.shape_cast %broadcast_in_dim3A_3 : vector<16xf32> to vector<1x16xf32>
      tpu.vector_store %arg9[%swap3A_127, %swap3A_128], %swap3A_131 {strides = array<i32>} : memref<80x128xf32, #tpu.memory_space<vmem>>, vector<1x16xf32>,
      %swap3A_132 = arith.index_cast %scan3A_101 : i32 to index
      %swap3A_133 = arith.constant 96 : index
      %swap3A_134 = tpu.vector_load %arg9[%swap3A_132, %swap3A_133] {strides = array<i32>} : memref<80x128xf32, #tpu.memory_space<vmem>>, vector<1x16xf32>,
      %swap3A_135 = vector.shape_cast %swap3A_134 : vector<1x16xf32> to vector<16xf32>
      %swap3A_136 = vector.shape_cast %broadcast_in_dim3A_3 : vector<16xf32> to vector<1x16xf32>
      tpu.vector_store %arg9[%swap3A_132, %swap3A_133], %swap3A_136 {strides = array<i32>} : memref<80x128xf32, #tpu.memory_space<vmem>>, vector<1x16xf32>,
      %swap3A_137 = arith.index_cast %scan3A_101 : i32 to index
      %swap3A_138 = arith.constant 112 : index
      %swap3A_139 = tpu.vector_load %arg9[%swap3A_137, %swap3A_138] {strides = array<i32>} : memref<80x128xf32, #tpu.memory_space<vmem>>, vector<1x16xf32>,
      %swap3A_140 = vector.shape_cast %swap3A_139 : vector<1x16xf32> to vector<16xf32>
      %swap3A_141 = vector.shape_cast %broadcast_in_dim3A_3 : vector<16xf32> to vector<1x16xf32>
      tpu.vector_store %arg9[%swap3A_137, %swap3A_138], %swap3A_141 {strides = array<i32>} : memref<80x128xf32, #tpu.memory_space<vmem>>, vector<1x16xf32>,
      %scan3A_142 = arith.constant 0 : i32
      scf.yield %scan3A_142 : i32
    }
    %scan3A_79 = arith.constant 80 : i32
    %barrier3A_80 = arith.constant 0 : index
    tpu.barrier barrier_id(%barrier3A_80)
    %scan3A_81 = arith.constant 0 : i32
    %scan3A_82 = arith.constant 0 : i32
    %scan3A_83 = arith.constant 125 : i32
    %scan3A_84 = arith.addi %scan3A_82, %scan3A_83 : i32
    %scan3A_85 = arith.constant 1 : i32
    %scan3A_86 = scf.for %scan3A_101 = %scan3A_82 to %scan3A_84 step %scan3A_85 iter_args(%scan3A_102 = %scan3A_81) -> (i32)  : i32 {
      %mul3A_103 = arith.constant 80 : i32
      %mul3A_104 = arith.muli %scan3A_101, %mul3A_103 : i32
      %add3A_105 = arith.addi %mul3A_7, %mul3A_104 : i32
      "tpu.region"() ({
        %run_scoped3A = tpu.sem_alloc : memref<!tpu.dma_semaphore, #tpu.memory_space<semaphore_mem>>
        %dma_start3A_107 = tpu.memref_slice %arg4[%add3A_105] : memref<320000xi32, #tpu.memory_space<hbm>> -> memref<80xi32, #tpu.memory_space<hbm>>
        %dma_start3A_108 = tpu.memref_slice %arg4[%add3A_105] : memref<320000xi32, #tpu.memory_space<hbm>> -> memref<80xi32, #tpu.memory_space<hbm>>
        tpu.enqueue_dma source(%dma_start3A_108 : memref<80xi32, #tpu.memory_space<hbm>>) target(%arg8 : memref<80xi32, #tpu.memory_space<vmem>>) target_semaphore(%run_scoped3A : memref<!tpu.dma_semaphore, #tpu.memory_space<semaphore_mem>>)
        %dma_wait3A_109 = tpu.memref_slice %arg4[%add3A_105] : memref<320000xi32, #tpu.memory_space<hbm>> -> memref<80xi32, #tpu.memory_space<hbm>>
        %dma_wait3A_110 = tpu.memref_slice %arg4[%add3A_105] : memref<320000xi32, #tpu.memory_space<hbm>> -> memref<80xi32, #tpu.memory_space<hbm>>
        tpu.wait_dma2 semaphore(%run_scoped3A : memref<!tpu.dma_semaphore, #tpu.memory_space<semaphore_mem>>) src(%dma_wait3A_110 : memref<80xi32, #tpu.memory_space<hbm>>) dst(%arg8 : memref<80xi32, #tpu.memory_space<vmem>>)
        tpu.yield
      }) : () -> ()
      "tpu.region"() ({
        %run_scoped3A = tpu.sem_alloc : memref<!tpu.dma_semaphore, #tpu.memory_space<semaphore_mem>>
        %dma_start3A_107 = arith.constant 0 : i32
        %dma_start3A_108 = arith.constant 0 : i32
        %dma_start3A_109 = tpu.memref_slice %arg13[%dma_start3A_107, %dma_start3A_108] : memref<10000x128xf32, #tpu.memory_space<vmem_shared>> -> memref<10000x128xf32, #tpu.memory_space<vmem_shared>>
        tpu.enqueue_indirect_dma source(%arg9 : memref<80x128xf32, #tpu.memory_space<vmem>>) target(%dma_start3A_109 : memref<10000x128xf32, #tpu.memory_space<vmem_shared>>) offsets(%arg8 : memref<80xi32, #tpu.memory_space<vmem>>) semaphore(%run_scoped3A : memref<!tpu.dma_semaphore, #tpu.memory_space<semaphore_mem>>) {add = true}
        %dma_wait3A_110 = arith.constant 0 : i32
        %dma_wait3A_111 = arith.constant 0 : i32
        %dma_wait3A_112 = tpu.memref_slice %arg13[%dma_wait3A_110, %dma_wait3A_111] : memref<10000x128xf32, #tpu.memory_space<vmem_shared>> -> memref<10000x128xf32, #tpu.memory_space<vmem_shared>>
        tpu.wait_indirect_dma semaphore(%run_scoped3A : memref<!tpu.dma_semaphore, #tpu.memory_space<semaphore_mem>>) src(%arg9 : memref<80x128xf32, #tpu.memory_space<vmem>>) dst(%dma_wait3A_112 : memref<10000x128xf32, #tpu.memory_space<vmem_shared>>)
        tpu.yield
      }) : () -> ()
      %scan3A_106 = arith.constant 0 : i32
      scf.yield %scan3A_106 : i32
    }
    %scan3A_87 = arith.constant 125 : i32
    %barrier3A_88 = arith.constant 0 : index
    tpu.barrier barrier_id(%barrier3A_88)
    %while3A_89 = arith.constant 0 : i32
    %while3A_90 = arith.constant 0 : i32
    %while3A_91 = arith.subi %select_n3A, %while3A_89 : i32
    %while3A_92 = arith.addi %while3A_89, %while3A_91 : i32
    %while3A_93 = arith.constant 1 : i32
    %while3A_94 = arith.divsi %while3A_91, %while3A_93 : i32
    %while3A_95 = arith.muli %while3A_94, %while3A_93 : i32
    %while3A_96 = arith.addi %while3A_89, %while3A_95 : i32
    %while3A_97 = arith.constant 1 : i32
    %while3A_98 = scf.for %while3A_101 = %while3A_89 to %while3A_96 step %while3A_97 iter_args(%while3A_102 = %while3A_90) -> (i32)  : i32 {
      %mul3A_103 = arith.constant 16 : i32
      %mul3A_104 = arith.muli %while3A_101, %mul3A_103 : i32
      %add3A_105 = arith.addi %arg1, %mul3A_104 : i32
      %mul3A_106 = arith.constant 80 : i32
      %mul3A_107 = arith.muli %add3A_105, %mul3A_106 : i32
      "tpu.region"() ({
        %run_scoped3A = tpu.sem_alloc : memref<!tpu.dma_semaphore, #tpu.memory_space<semaphore_mem>>
        %dma_start3A_109 = arith.constant 0 : i32
        %dma_start3A_110 = tpu.memref_slice %arg13[%mul3A_107, %dma_start3A_109] : memref<10000x128xf32, #tpu.memory_space<vmem_shared>> -> memref<80x128xf32, #tpu.memory_space<vmem_shared>>
        %dma_start3A_111 = arith.constant 0 : i32
        %dma_start3A_112 = tpu.memref_slice %arg13[%mul3A_107, %dma_start3A_111] : memref<10000x128xf32, #tpu.memory_space<vmem_shared>> -> memref<80x128xf32, #tpu.memory_space<vmem_shared>>
        tpu.enqueue_dma source(%dma_start3A_112 : memref<80x128xf32, #tpu.memory_space<vmem_shared>>) target(%arg9 : memref<80x128xf32, #tpu.memory_space<vmem>>) target_semaphore(%run_scoped3A : memref<!tpu.dma_semaphore, #tpu.memory_space<semaphore_mem>>)
        %dma_wait3A_113 = arith.constant 0 : i32
        %dma_wait3A_114 = tpu.memref_slice %arg13[%mul3A_107, %dma_wait3A_113] : memref<10000x128xf32, #tpu.memory_space<vmem_shared>> -> memref<80x128xf32, #tpu.memory_space<vmem_shared>>
        %dma_wait3A_115 = arith.constant 0 : i32
        %dma_wait3A_116 = tpu.memref_slice %arg13[%mul3A_107, %dma_wait3A_115] : memref<10000x128xf32, #tpu.memory_space<vmem_shared>> -> memref<80x128xf32, #tpu.memory_space<vmem_shared>>
        tpu.wait_dma2 semaphore(%run_scoped3A : memref<!tpu.dma_semaphore, #tpu.memory_space<semaphore_mem>>) src(%dma_wait3A_116 : memref<80x128xf32, #tpu.memory_space<vmem_shared>>) dst(%arg9 : memref<80x128xf32, #tpu.memory_space<vmem>>)
        tpu.yield
      }) : () -> ()
      "tpu.region"() ({
        %run_scoped3A = tpu.sem_alloc : memref<!tpu.dma_semaphore, #tpu.memory_space<semaphore_mem>>
        %dma_start3A_109 = arith.constant 0 : i32
        %dma_start3A_110 = arith.constant 0 : i32
        %dma_start3A_111 = tpu.memref_slice %arg6[%arg0, %dma_start3A_109, %dma_start3A_110] : memref<2x10000x128xf32, #tpu.memory_space<hbm>> -> memref<1x10000x128xf32, #tpu.memory_space<hbm>>
        %dma_start3A_112 = tpu.memref_squeeze %dma_start3A_111 : memref<1x10000x128xf32, #tpu.memory_space<hbm>> -> memref<10000x128xf32, #tpu.memory_space<hbm>>
        %dma_start3A_113 = arith.constant 0 : i32
        %dma_start3A_114 = tpu.memref_slice %dma_start3A_112[%mul3A_107, %dma_start3A_113] : memref<10000x128xf32, #tpu.memory_space<hbm>> -> memref<80x128xf32, #tpu.memory_space<hbm>>
        %dma_start3A_115 = arith.constant 0 : i32
        %dma_start3A_116 = arith.constant 0 : i32
        %dma_start3A_117 = tpu.memref_slice %arg6[%arg0, %dma_start3A_115, %dma_start3A_116] : memref<2x10000x128xf32, #tpu.memory_space<hbm>> -> memref<1x10000x128xf32, #tpu.memory_space<hbm>>
        %dma_start3A_118 = tpu.memref_squeeze %dma_start3A_117 : memref<1x10000x128xf32, #tpu.memory_space<hbm>> -> memref<10000x128xf32, #tpu.memory_space<hbm>>
        %dma_start3A_119 = arith.constant 0 : i32
        %dma_start3A_120 = tpu.memref_slice %dma_start3A_118[%mul3A_107, %dma_start3A_119] : memref<10000x128xf32, #tpu.memory_space<hbm>> -> memref<80x128xf32, #tpu.memory_space<hbm>>
        tpu.enqueue_dma source(%arg9 : memref<80x128xf32, #tpu.memory_space<vmem>>) target(%dma_start3A_120 : memref<80x128xf32, #tpu.memory_space<hbm>>) target_semaphore(%run_scoped3A : memref<!tpu.dma_semaphore, #tpu.memory_space<semaphore_mem>>)
        %dma_wait3A_121 = arith.constant 0 : i32
        %dma_wait3A_122 = arith.constant 0 : i32
        %dma_wait3A_123 = tpu.memref_slice %arg6[%arg0, %dma_wait3A_121, %dma_wait3A_122] : memref<2x10000x128xf32, #tpu.memory_space<hbm>> -> memref<1x10000x128xf32, #tpu.memory_space<hbm>>
        %dma_wait3A_124 = tpu.memref_squeeze %dma_wait3A_123 : memref<1x10000x128xf32, #tpu.memory_space<hbm>> -> memref<10000x128xf32, #tpu.memory_space<hbm>>
        %dma_wait3A_125 = arith.constant 0 : i32
        %dma_wait3A_126 = tpu.memref_slice %dma_wait3A_124[%mul3A_107, %dma_wait3A_125] : memref<10000x128xf32, #tpu.memory_space<hbm>> -> memref<80x128xf32, #tpu.memory_space<hbm>>
        %dma_wait3A_127 = arith.constant 0 : i32
        %dma_wait3A_128 = arith.constant 0 : i32
        %dma_wait3A_129 = tpu.memref_slice %arg6[%arg0, %dma_wait3A_127, %dma_wait3A_128] : memref<2x10000x128xf32, #tpu.memory_space<hbm>> -> memref<1x10000x128xf32, #tpu.memory_space<hbm>>
        %dma_wait3A_130 = tpu.memref_squeeze %dma_wait3A_129 : memref<1x10000x128xf32, #tpu.memory_space<hbm>> -> memref<10000x128xf32, #tpu.memory_space<hbm>>
        %dma_wait3A_131 = arith.constant 0 : i32
        %dma_wait3A_132 = tpu.memref_slice %dma_wait3A_130[%mul3A_107, %dma_wait3A_131] : memref<10000x128xf32, #tpu.memory_space<hbm>> -> memref<80x128xf32, #tpu.memory_space<hbm>>
        tpu.wait_dma2 semaphore(%run_scoped3A : memref<!tpu.dma_semaphore, #tpu.memory_space<semaphore_mem>>) src(%arg9 : memref<80x128xf32, #tpu.memory_space<vmem>>) dst(%dma_wait3A_132 : memref<80x128xf32, #tpu.memory_space<hbm>>)
        tpu.yield
      }) : () -> ()
      %while3A_108 = arith.constant 0 : i32
      scf.yield %while3A_108 : i32
    }
    %while3A_99 = arith.constant 1 : i32
    %while3A_100 = scf.for %while3A_101 = %while3A_96 to %while3A_92 step %while3A_99 iter_args(%while3A_102 = %while3A_98) -> (i32)  : i32 {
      %mul3A_103 = arith.constant 16 : i32
      %mul3A_104 = arith.muli %while3A_101, %mul3A_103 : i32
      %add3A_105 = arith.addi %arg1, %mul3A_104 : i32
      %mul3A_106 = arith.constant 80 : i32
      %mul3A_107 = arith.muli %add3A_105, %mul3A_106 : i32
      "tpu.region"() ({
        %run_scoped3A = tpu.sem_alloc : memref<!tpu.dma_semaphore, #tpu.memory_space<semaphore_mem>>
        %dma_start3A_109 = arith.constant 0 : i32
        %dma_start3A_110 = tpu.memref_slice %arg13[%mul3A_107, %dma_start3A_109] : memref<10000x128xf32, #tpu.memory_space<vmem_shared>> -> memref<80x128xf32, #tpu.memory_space<vmem_shared>>
        %dma_start3A_111 = arith.constant 0 : i32
        %dma_start3A_112 = tpu.memref_slice %arg13[%mul3A_107, %dma_start3A_111] : memref<10000x128xf32, #tpu.memory_space<vmem_shared>> -> memref<80x128xf32, #tpu.memory_space<vmem_shared>>
        tpu.enqueue_dma source(%dma_start3A_112 : memref<80x128xf32, #tpu.memory_space<vmem_shared>>) target(%arg9 : memref<80x128xf32, #tpu.memory_space<vmem>>) target_semaphore(%run_scoped3A : memref<!tpu.dma_semaphore, #tpu.memory_space<semaphore_mem>>)
        %dma_wait3A_113 = arith.constant 0 : i32
        %dma_wait3A_114 = tpu.memref_slice %arg13[%mul3A_107, %dma_wait3A_113] : memref<10000x128xf32, #tpu.memory_space<vmem_shared>> -> memref<80x128xf32, #tpu.memory_space<vmem_shared>>
        %dma_wait3A_115 = arith.constant 0 : i32
        %dma_wait3A_116 = tpu.memref_slice %arg13[%mul3A_107, %dma_wait3A_115] : memref<10000x128xf32, #tpu.memory_space<vmem_shared>> -> memref<80x128xf32, #tpu.memory_space<vmem_shared>>
        tpu.wait_dma2 semaphore(%run_scoped3A : memref<!tpu.dma_semaphore, #tpu.memory_space<semaphore_mem>>) src(%dma_wait3A_116 : memref<80x128xf32, #tpu.memory_space<vmem_shared>>) dst(%arg9 : memref<80x128xf32, #tpu.memory_space<vmem>>)
        tpu.yield
      }) : () -> ()
      "tpu.region"() ({
        %run_scoped3A = tpu.sem_alloc : memref<!tpu.dma_semaphore, #tpu.memory_space<semaphore_mem>>
        %dma_start3A_109 = arith.constant 0 : i32
        %dma_start3A_110 = arith.constant 0 : i32
        %dma_start3A_111 = tpu.memref_slice %arg6[%arg0, %dma_start3A_109, %dma_start3A_110] : memref<2x10000x128xf32, #tpu.memory_space<hbm>> -> memref<1x10000x128xf32, #tpu.memory_space<hbm>>
        %dma_start3A_112 = tpu.memref_squeeze %dma_start3A_111 : memref<1x10000x128xf32, #tpu.memory_space<hbm>> -> memref<10000x128xf32, #tpu.memory_space<hbm>>
        %dma_start3A_113 = arith.constant 0 : i32
        %dma_start3A_114 = tpu.memref_slice %dma_start3A_112[%mul3A_107, %dma_start3A_113] : memref<10000x128xf32, #tpu.memory_space<hbm>> -> memref<80x128xf32, #tpu.memory_space<hbm>>
        %dma_start3A_115 = arith.constant 0 : i32
        %dma_start3A_116 = arith.constant 0 : i32
        %dma_start3A_117 = tpu.memref_slice %arg6[%arg0, %dma_start3A_115, %dma_start3A_116] : memref<2x10000x128xf32, #tpu.memory_space<hbm>> -> memref<1x10000x128xf32, #tpu.memory_space<hbm>>
        %dma_start3A_118 = tpu.memref_squeeze %dma_start3A_117 : memref<1x10000x128xf32, #tpu.memory_space<hbm>> -> memref<10000x128xf32, #tpu.memory_space<hbm>>
        %dma_start3A_119 = arith.constant 0 : i32
        %dma_start3A_120 = tpu.memref_slice %dma_start3A_118[%mul3A_107, %dma_start3A_119] : memref<10000x128xf32, #tpu.memory_space<hbm>> -> memref<80x128xf32, #tpu.memory_space<hbm>>
        tpu.enqueue_dma source(%arg9 : memref<80x128xf32, #tpu.memory_space<vmem>>) target(%dma_start3A_120 : memref<80x128xf32, #tpu.memory_space<hbm>>) target_semaphore(%run_scoped3A : memref<!tpu.dma_semaphore, #tpu.memory_space<semaphore_mem>>)
        %dma_wait3A_121 = arith.constant 0 : i32
        %dma_wait3A_122 = arith.constant 0 : i32
        %dma_wait3A_123 = tpu.memref_slice %arg6[%arg0, %dma_wait3A_121, %dma_wait3A_122] : memref<2x10000x128xf32, #tpu.memory_space<hbm>> -> memref<1x10000x128xf32, #tpu.memory_space<hbm>>
        %dma_wait3A_124 = tpu.memref_squeeze %dma_wait3A_123 : memref<1x10000x128xf32, #tpu.memory_space<hbm>> -> memref<10000x128xf32, #tpu.memory_space<hbm>>
        %dma_wait3A_125 = arith.constant 0 : i32
        %dma_wait3A_126 = tpu.memref_slice %dma_wait3A_124[%mul3A_107, %dma_wait3A_125] : memref<10000x128xf32, #tpu.memory_space<hbm>> -> memref<80x128xf32, #tpu.memory_space<hbm>>
        %dma_wait3A_127 = arith.constant 0 : i32
        %dma_wait3A_128 = arith.constant 0 : i32
        %dma_wait3A_129 = tpu.memref_slice %arg6[%arg0, %dma_wait3A_127, %dma_wait3A_128] : memref<2x10000x128xf32, #tpu.memory_space<hbm>> -> memref<1x10000x128xf32, #tpu.memory_space<hbm>>
        %dma_wait3A_130 = tpu.memref_squeeze %dma_wait3A_129 : memref<1x10000x128xf32, #tpu.memory_space<hbm>> -> memref<10000x128xf32, #tpu.memory_space<hbm>>
        %dma_wait3A_131 = arith.constant 0 : i32
        %dma_wait3A_132 = tpu.memref_slice %dma_wait3A_130[%mul3A_107, %dma_wait3A_131] : memref<10000x128xf32, #tpu.memory_space<hbm>> -> memref<80x128xf32, #tpu.memory_space<hbm>>
        tpu.wait_dma2 semaphore(%run_scoped3A : memref<!tpu.dma_semaphore, #tpu.memory_space<semaphore_mem>>) src(%arg9 : memref<80x128xf32, #tpu.memory_space<vmem>>) dst(%dma_wait3A_132 : memref<80x128xf32, #tpu.memory_space<hbm>>)
        tpu.yield
      }) : () -> ()
      %while3A_108 = arith.constant 0 : i32
      scf.yield %while3A_108 : i32
    }
    return
  }
}

module attributes {stable_mosaic.version = 14 : i64} {
  func.func @_tc_body(%arg0: i32, %arg1: memref<1000x128xf32, #tpu.memory_space<vmem>>, %arg2: memref<2x1000x128xf32, #tpu.memory_space<vmem>>, %arg3: memref<2x1000x128xf32, #tpu.memory_space<vmem>>, %arg4: memref<128x128xf32, #tpu.memory_space<vmem>>, %arg5: memref<128x128xf32, #tpu.memory_space<vmem>>, %arg6: memref<1x128xf32, #tpu.memory_space<vmem>>, %arg7: memref<1000x128xf32, #tpu.memory_space<vmem>>) attributes {dimension_semantics = [#tpu.dimension_semantics<arbitrary>], iteration_bounds = array<i64: 10>, scalar_prefetch = 0 : i64, scratch_operands = 0 : i64, tpu.core_type = #tpu.core_type<tc>, window_params = [{transform_indices = @transform_0, window_bounds = array<i64: 1000, 128>}, {transform_indices = @transform_1, window_bounds = array<i64: 2, 1000, 128>}, {transform_indices = @transform_2, window_bounds = array<i64: 2, 1000, 128>}, {pipeline_mode = #tpu.pipeline_mode<synchronous>, transform_indices = @transform_3, window_bounds = array<i64: 128, 128>}, {pipeline_mode = #tpu.pipeline_mode<synchronous>, transform_indices = @transform_4, window_bounds = array<i64: 128, 128>}, {pipeline_mode = #tpu.pipeline_mode<synchronous>, transform_indices = @transform_5, window_bounds = array<i64: 1, 128>}, {transform_indices = @transform_6, window_bounds = array<i64: 1000, 128>}]} {
    %get3A = arith.constant 0 : index
    %get3A_0 = arith.constant 0 : index
    %get3A_1 = arith.constant 0 : index
    %get3A_2 = vector.load %arg2[%get3A, %get3A_0, %get3A_1] : memref<2x1000x128xf32, #tpu.memory_space<vmem>>, vector<1x1000x128xf32>
    %get3A_3 = vector.shape_cast %get3A_2 : vector<1x1000x128xf32> to vector<1000x128xf32>
    %get3A_4 = arith.constant 1 : index
    %get3A_5 = arith.constant 0 : index
    %get3A_6 = arith.constant 0 : index
    %get3A_7 = vector.load %arg2[%get3A_4, %get3A_5, %get3A_6] : memref<2x1000x128xf32, #tpu.memory_space<vmem>>, vector<1x1000x128xf32>
    %get3A_8 = vector.shape_cast %get3A_7 : vector<1x1000x128xf32> to vector<1000x128xf32>
    %add3A = arith.addf %get3A_3, %get3A_8 : vector<1000x128xf32>
    %get3A_9 = arith.constant 0 : index
    %get3A_10 = arith.constant 0 : index
    %get3A_11 = arith.constant 0 : index
    %get3A_12 = vector.load %arg3[%get3A_9, %get3A_10, %get3A_11] : memref<2x1000x128xf32, #tpu.memory_space<vmem>>, vector<1x1000x128xf32>
    %get3A_13 = vector.shape_cast %get3A_12 : vector<1x1000x128xf32> to vector<1000x128xf32>
    %get3A_14 = arith.constant 1 : index
    %get3A_15 = arith.constant 0 : index
    %get3A_16 = arith.constant 0 : index
    %get3A_17 = vector.load %arg3[%get3A_14, %get3A_15, %get3A_16] : memref<2x1000x128xf32, #tpu.memory_space<vmem>>, vector<1x1000x128xf32>
    %get3A_18 = vector.shape_cast %get3A_17 : vector<1x1000x128xf32> to vector<1000x128xf32>
    %add3A_19 = arith.addf %get3A_13, %get3A_18 : vector<1000x128xf32>
    %reduce_sum3A = arith.constant dense<0.000000e+00> : vector<1000xf32>
    %reduce_sum3A_20 = vector.multi_reduction <add>, %add3A_19, %reduce_sum3A [1] : vector<1000x128xf32> to vector<1000xf32>
    %mul3A = arith.constant 7.812500e-03 : f32
    %mul3A_21 = vector.broadcast %mul3A : f32 to vector<1000xf32>
    %mul3A_22 = arith.mulf %reduce_sum3A_20, %mul3A_21 : vector<1000xf32>
    %max3A = arith.constant 1.000000e+00 : f32
    %max3A_23 = vector.broadcast %max3A : f32 to vector<1000xf32>
    %max3A_24 = arith.maximumf %mul3A_22, %max3A_23 : vector<1000xf32>
    %broadcast_in_dim3A = vector.shape_cast %max3A_24 : vector<1000xf32> to vector<1000x1xf32>
    %div3A = vector.broadcast %broadcast_in_dim3A : vector<1000x1xf32> to vector<1000x128xf32>
    %div3A_25 = arith.divf %add3A, %div3A : vector<1000x128xf32>
    %get3A_26 = arith.constant 0 : index
    %get3A_27 = arith.constant 0 : index
    %get3A_28 = vector.load %arg1[%get3A_26, %get3A_27] : memref<1000x128xf32, #tpu.memory_space<vmem>>, vector<1000x128xf32>
    %get3A_29 = arith.constant 0 : index
    %get3A_30 = arith.constant 0 : index
    %get3A_31 = vector.load %arg4[%get3A_29, %get3A_30] : memref<128x128xf32, #tpu.memory_space<vmem>>, vector<128x128xf32>
    %dot_general3A = arith.constant dense<0.000000e+00> : vector<1000x128xf32>
    %dot_general3A_32 = tpu.matmul %get3A_28, %get3A_31, %dot_general3A {dimension_numbers = #tpu.dot_dimension_numbers<[1], [0], [0], [1], [0, 0, 1, 1], [], []>, transpose_lhs_hint = false} : vector<1000x128xf32>, vector<128x128xf32>, vector<1000x128xf32> -> vector<1000x128xf32>
    %get3A_33 = arith.constant 0 : index
    %get3A_34 = arith.constant 0 : index
    %get3A_35 = vector.load %arg5[%get3A_33, %get3A_34] : memref<128x128xf32, #tpu.memory_space<vmem>>, vector<128x128xf32>
    %dot_general3A_36 = arith.constant dense<0.000000e+00> : vector<1000x128xf32>
    %dot_general3A_37 = tpu.matmul %div3A_25, %get3A_35, %dot_general3A_36 {dimension_numbers = #tpu.dot_dimension_numbers<[1], [0], [0], [1], [0, 0, 1, 1], [], []>, transpose_lhs_hint = false} : vector<1000x128xf32>, vector<128x128xf32>, vector<1000x128xf32> -> vector<1000x128xf32>
    %add3A_38 = arith.addf %dot_general3A_32, %dot_general3A_37 : vector<1000x128xf32>
    %get3A_39 = arith.constant 0 : index
    %get3A_40 = arith.constant 0 : index
    %get3A_41 = vector.load %arg6[%get3A_39, %get3A_40] : memref<1x128xf32, #tpu.memory_space<vmem>>, vector<1x128xf32>
    %add3A_42 = vector.broadcast %get3A_41 : vector<1x128xf32> to vector<1000x128xf32>
    %add3A_43 = arith.addf %add3A_38, %add3A_42 : vector<1000x128xf32>
    %max3A_44 = arith.constant 0.000000e+00 : f32
    %max3A_45 = vector.broadcast %max3A_44 : f32 to vector<1000x128xf32>
    %max3A_46 = arith.maximumf %add3A_43, %max3A_45 : vector<1000x128xf32>
    %swap3A = arith.constant 0 : index
    %swap3A_47 = arith.constant 0 : index
    %swap3A_48 = vector.load %arg7[%swap3A, %swap3A_47] : memref<1000x128xf32, #tpu.memory_space<vmem>>, vector<1000x128xf32>
    tpu.vector_store %arg7[%swap3A, %swap3A_47], %max3A_46 {strides = array<i32>} : memref<1000x128xf32, #tpu.memory_space<vmem>>, vector<1000x128xf32>,
    return
  }
  func.func @transform_0(%arg0: i32) -> (i32, i32) {
    %c0_i32 = arith.constant 0 : i32
    %c0_i32_0 = arith.constant 0 : i32
    return %arg0, %c0_i32 : i32, i32
  }
  func.func @transform_1(%arg0: i32) -> (i32, i32, i32) {
    %c0_i32 = arith.constant 0 : i32
    %c0_i32_0 = arith.constant 0 : i32
    %c0_i32_1 = arith.constant 0 : i32
    return %c0_i32, %arg0, %c0_i32_0 : i32, i32, i32
  }
  func.func @transform_2(%arg0: i32) -> (i32, i32, i32) {
    %c0_i32 = arith.constant 0 : i32
    %c0_i32_0 = arith.constant 0 : i32
    %c0_i32_1 = arith.constant 0 : i32
    return %c0_i32, %arg0, %c0_i32_0 : i32, i32, i32
  }
  func.func @transform_3(%arg0: i32) -> (i32, i32) {
    %c0_i32 = arith.constant 0 : i32
    %c0_i32_0 = arith.constant 0 : i32
    %c0_i32_1 = arith.constant 0 : i32
    return %c0_i32, %c0_i32_0 : i32, i32
  }
  func.func @transform_4(%arg0: i32) -> (i32, i32) {
    %c0_i32 = arith.constant 0 : i32
    %c0_i32_0 = arith.constant 0 : i32
    %c0_i32_1 = arith.constant 0 : i32
    return %c0_i32, %c0_i32_0 : i32, i32
  }
  func.func @transform_5(%arg0: i32) -> (i32, i32) {
    %c0_i32 = arith.constant 0 : i32
    %c0_i32_0 = arith.constant 0 : i32
    %c0_i32_1 = arith.constant 0 : i32
    return %c0_i32, %c0_i32_0 : i32, i32
  }
  func.func @transform_6(%arg0: i32) -> (i32, i32) {
    %c0_i32 = arith.constant 0 : i32
    %c0_i32_0 = arith.constant 0 : i32
    return %arg0, %c0_i32 : i32, i32
  }
}

</mosaic_0001>

<sc_bundles>
// kernel: kernel.4.cloned.1.call-start
scs
__scs_entry_jumppad:
0x0: {  	(pc) =	sbr.rel $0x88, $3  }
0x1: {  	(tag) =	ssettag $0x0;
	lr =	simm.s32 $0x1  }
0x2: {  	[smem:$0x3F9C] =	sst lr;
	_ =	strace $0xD0000000  }
0x3: {  	_ = 	snop  }
0x4: {  	_ = 	snop  }
0x5: {  	_ = 	snop  }
0x6: {  	_ = 	snop  }
0x7: {  	_ = 	snop  }
__scs_overlays_trampoline_lowered:
0x8: {  	[smem:$0x3FAB] =	sst s0  }
0x9: {  	[smem:$0x3FAC] =	sst s1  }
0xa: {  	[smem:$0x3FAD] =	sst s2  }
0xb: {  	[smem:$0x3FAE] =	sst s3  }
0xc: {  	[smem:$0x3FAF] =	sst s4  }
0xd: {  	[smem:$0x3FB0] =	sst s5  }
0xe: {  	[smem:$0x3FB1] =	sst s6  }
0xf: {  	[smem:$0x3FB2] =	sst s7  }
0x10: {  	[smem:$0x3FB3] =	sst s8  }
0x11: {  	[smem:$0x3FB4] =	sst s9;
	s0 =	simm.s32 @!p0 $0x0  }
0x12: {  	s1 =	sld [smem:$0x3F9A];
	s0 =	simm.s32 @p0 $0x1  }
0x13: {  	[smem:$0x3FB5] =	sst s0;
	s0 =	simm.s32 @!p1 $0x0  }
0x14: {  	s2 =	sld [smem:$0x3F99];
	s0 =	simm.s32 @p1 $0x1  }
0x15: {  	[smem:$0x3FB6] =	sst s0;
	s0 =	simm.s32 @!p2 $0x0  }
0x16: {  	s3 =	sld [smem:$0x3FDB];
	s0 =	simm.s32 @p2 $0x1  }
0x17: {  	s4 =	simm.s32 $0x1BF5;
	[smem:$0x3FB8] =	sst s0  }
0x18: {  	s0 =	sld [smem:$0x3F9B];
	_ =	swait.ge [sflag:s4], $0x0  }
0x19: {  	s7 =	sld [smem:$0x3F9C]  }
0x1a: {  	s8 =	sadd.s32 $0xFFFFE003, lr  }
0x1b: {  	s9 =	sadd.s32 $0xFFFFFEF7, lr;
	s5 =	simm.s32 $0xFFFFFFFF;
	p2 =	slt.u32 s8, $0xFFFFF086  }
0x1c: {  	p1 =	slt.u32 s9, $0xF7A;
	s5 =	simm.s32 @!p2 $0x0  }
0x1d: {  	s5 =	simm.s32 @p1 $0x1;
	p0 =	seq.s32 s7, s2  }
0x1e: {  	s7 =	smul.u32 @!p0 $0xF7A, s2;
	p2 =	seq.s32 @!p0 s5, $0x0  }
0x1f: {  	s9 =	smul.u32 $0xF7A, s1;
	s8 =	simm.s32 @!p0 $0x1BF5;
	p2 =	por !p2, p0  }
0x20: {  	[sflag:s8] =	ssyncset.s32 @!p0 $0xFFFFF086;
	s6 =	sadd.s32 @!p0 s3, s7;
	s7 =	simm.s32 @!p0 $0x108  }
0x21: {  	s3 =	sadd.s32 s3, s9;
	s6 =	sadd.s32 @!p0 $0x88, s6;
	s7 =	simm.s32 @p2 $0x1082  }
0x22: {  	[simem:s7], [sflag:s8] =	dma.local @!p0 [hbm:s6], $0xF7A  }
0x23: {  	s9 =	sor.u32 $0xD0000000, s2;
	s6 =	simm.s32 $0x108;
	_ =	swait.ge @!p0 [sflag:s8], $0x0  }
0x24: {  	s3 =	sadd.s32 $0x88, s3;
	s6 =	simm.s32 @!p1 $0x1082;
	[sflag:s4] =	ssyncset.s32 $0xFFFFF086  }
0x25: {  	[simem:s6], [sflag:s4] =	dma.local [hbm:s3], $0xF7A  }
0x26: {  	[smem:$0x3F9C] =	sst s1;
	(tag) =	ssettag s2;
	_ =	strace s9  }
0x27: {  	s1 =	sld [smem:$0x3FAC]  }
0x28: {  	s2 =	sld [smem:$0x3FAD]  }
0x29: {  	s4 =	sld [smem:$0x3FAF]  }
0x2a: {  	p0 =	seq.s32 s5, $0x0;
	s5 =	sld [smem:$0x3FB0]  }
0x2b: {  	s6 =	sld [smem:$0x3FB1]  }
0x2c: {  	s7 =	sld [smem:$0x3FB2]  }
0x2d: {  	s3 =	simm.s32 $0x108;
	s8 =	sld [smem:$0x3FB3]  }
0x2e: {  	s3 =	simm.s32 @!p0 $0x1082;
	s9 =	sld [smem:$0x3FB4]  }
0x2f: {  	lr =	sadd.s32 s0, s3;
	s0 =	sld [smem:$0x3FAB]  }
0x30: {  	s3 =	sld [smem:$0x3FAE]  }
0x31: {  	[smem:$0x3FB7] =	sst s10  }
0x32: {  	s10 =	sld [smem:$0x3FB5];
	_ =	sdelay $0x3  }
0x33: {  	p0 =	seq.s32 s10, $0x1;
	s10 =	sld [smem:$0x3FB7];
	_ =	sdelay $0x3  }
0x34: {  	[smem:$0x3FB7] =	sst s10  }
0x35: {  	s10 =	sld [smem:$0x3FB6];
	_ =	sdelay $0x3  }
0x36: {  	p1 =	seq.s32 s10, $0x1;
	s10 =	sld [smem:$0x3FB7];
	_ =	sdelay $0x3  }
0x37: {  	[smem:$0x3FB7] =	sst s10  }
0x38: {  	s10 =	sld [smem:$0x3FB8]  }
0x39: {  	_ = 	snop;
	(pc) =	sbr.ind lr, $3  }
0x3a: {  	_ = 	snop  }
0x3b: {  	_ = 	snop  }
0x3c: {  	p2 =	seq.s32 s10, $0x1;
	s10 =	sld [smem:$0x3FB7]  }
0x3d: {  	_ =	shalt  }
0x3e: {  	_ =	shalt  }
0x3f: {  	_ =	shalt  }
0x40: {  	_ =	shalt  }
0x41: {  	_ =	shalt  }
0x42: {  	_ =	shalt  }
0x43: {  	_ =	shalt  }
0x44: {  	_ =	shalt  }
0x45: {  	_ =	shalt  }
0x46: {  	_ =	shalt  }
0x47: {  	_ =	shalt  }
0x48: {  	_ =	shalt  }
0x49: {  	_ =	shalt  }
0x4a: {  	_ =	shalt  }
0x4b: {  	_ =	shalt  }
0x4c: {  	_ =	shalt  }
0x4d: {  	_ =	shalt  }
0x4e: {  	_ =	shalt  }
0x4f: {  	_ =	shalt  }
0x50: {  	_ =	shalt  }
0x51: {  	_ =	shalt  }
0x52: {  	_ =	shalt  }
0x53: {  	_ =	shalt  }
0x54: {  	_ =	shalt  }
0x55: {  	_ =	shalt  }
0x56: {  	_ =	shalt  }
0x57: {  	_ =	shalt  }
0x58: {  	_ =	shalt  }
0x59: {  	_ =	shalt  }
0x5a: {  	_ =	shalt  }
0x5b: {  	_ =	shalt  }
0x5c: {  	_ =	shalt  }
0x5d: {  	_ =	shalt  }
0x5e: {  	_ =	shalt  }
0x5f: {  	_ =	shalt  }
0x60: {  	_ =	shalt  }
0x61: {  	_ =	shalt  }
0x62: {  	_ =	shalt  }
0x63: {  	_ =	shalt  }
0x64: {  	_ =	shalt  }
0x65: {  	_ =	shalt  }
0x66: {  	_ =	shalt  }
0x67: {  	_ =	shalt  }
0x68: {  	_ =	shalt  }
0x69: {  	_ =	shalt  }
0x6a: {  	_ =	shalt  }
0x6b: {  	_ =	shalt  }
0x6c: {  	_ =	shalt  }
0x6d: {  	_ =	shalt  }
0x6e: {  	_ =	shalt  }
0x6f: {  	_ =	shalt  }
0x70: {  	_ =	shalt  }
0x71: {  	_ =	shalt  }
0x72: {  	_ =	shalt  }
0x73: {  	_ =	shalt  }
0x74: {  	_ =	shalt  }
0x75: {  	_ =	shalt  }
0x76: {  	_ =	shalt  }
0x77: {  	_ =	shalt  }
0x78: {  	_ =	shalt  }
0x79: {  	_ =	shalt  }
0x7a: {  	_ =	shalt  }
0x7b: {  	_ =	shalt  }
0x7c: {  	_ =	shalt  }
0x7d: {  	_ =	shalt  }
0x7e: {  	_ =	shalt  }
0x7f: {  	_ =	shalt  }
0x80: {  	_ =	shalt  }
0x81: {  	_ =	shalt  }
0x82: {  	_ =	shalt  }
0x83: {  	_ =	shalt  }
0x84: {  	_ =	shalt  }
0x85: {  	_ =	shalt  }
0x86: {  	_ =	shalt  }
0x87: {  	_ =	shalt  }
.Lfunc_end0:
.L_simem_size_0:
called_computation_lowered:
.L_overlay_start_0:
0x88: {  	s2 =	sld [smem:$0x3FD9]  }
0x89: {  	s3 =	sld [smem:$0x3FFE];
	_ =	sdelay $0x1  }
0x8a: {  	s1 =	srdreg.scid  }
0x8b: {  	s0 =	sand.u32 $0x1, s1  }
0x8c: {  	s17 =	sshll.u32 s0, $0xA;
	s2 =	sadd.s32 s3, s2  }
0x8d: {  	s2 =	sadd.s32 s2, s17  }
0x8e: {  	[smem:$0x3FC3] =	sst s2  }
0x8f: {  	_ = 	snop  }
0x90: {  	s2 =	sld [smem:$0x3FC9]  }
0x91: {  	s18 =	sld [smem:$0x3FD0];
	(tm) =	ssettm $0x1  }
0x92: {  	s4 =	sld [smem:$0x3FFB];
	_ =	sdelay $0x3  }
0x93: {  	_ =	strace s4  }
0x94: {  	s4 =	sld [smem:$0x3FFC];
	_ =	sdelay $0x3  }
0x95: {  	_ =	strace s4  }
0x96: {  	s4 =	sld [smem:$0x3FFD];
	_ =	sdelay $0x3  }
0x97: {  	_ =	strace s4  }
0x98: {  	_ =	strace $0x8FFFFFFF  }
0x99: {  	s19 =	sld [smem:$0x3FDB];
	_ =	sdelay $0x1  }
0x9a: {  	s5 =	simm.s32 $_scs_section_size  }
0x9b: {  	s6 =	simm.s32 $_size__tile_overlayer_lowered;
	s7 =	simm.s32 $_tile_overlayer_lowered  }
0x9c: {  	s22 =	simm.s32 $0x1BFF;
	s21 =	sshll.u32 s7, $0x1;
	s4 =	sadd.s32 s5, s19  }
0x9d: {  	s8 =	simm.s32 $0x0;
	s20 =	sshll.u32 s6, $0x1;
	s6 =	sadd.s32 s21, s4  }
0x9e: {  	[timem:s8], [sflag:s22] =	dma.local [hbm:s6], s20  }
0x9f: {  	_ =	swait.ge [sflag:s22], s20  }
0xa0: {  	s5 =	ssub.s32 $0x0, s20;
	[sflag:s22] =	ssyncset.done $0x0  }
0xa1: {  	[sflag:s22] =	ssyncadd.s32 s5;
	_ =	sdelay $0x1  }
0xa2: {  	s23 =	simm.s32 $0x1B8B  }
0xa3: {  	_ =	swait.ge [sflag:s23], $0x1  }
0xa4: {  	[sflag:s23] =	ssyncset.done $0x0  }
0xa5: {  	s25 =	simm.s32 $0x1B8E;
	s24 =	sld [smem:$0x3FFE];
	[sflag:s23] =	ssyncadd.s32 $0xFFFFFFFF  }
0xa6: {  	s26 =	simm.s32 $execute0_lowered;
	[smem:$0x3FD2] =	sst s25  }
0xa7: {  	s6 =	sshll.u32 s26, $0x1;
	_ =	strace $0x80000046;
	[dreg:$0x1] =	wrdreg $0xFFFFFFFF  }
0xa8: {  	s28 =	simm.s32 $_size_execute0_lowered;
	s4 =	sadd.s32 s4, s6;
	[dreg:$0x0] =	wrdreg $0x0  }
0xa9: {  	s6 =	sshll.u32 s28, $0x1;
	[dreg:$0x2] =	wrdreg s4  }
0xaa: {  	[dreg:$0x3] =	wrdreg s6  }
0xab: {  	[dreg:$0x4] =	wrdreg $0xC0  }
0xac: {  	_ =	task [dreg:s8], $0x5FFFF  }
0xad: {  	[dreg:$0x1] =	wrdreg $0xFFFFFFFF  }
0xae: {  	[dreg:$0x0] =	wrdreg $0x60  }
0xaf: {  	[dreg:$0x2] =	wrdreg s2  }
0xb0: {  	[dreg:$0x3] =	wrdreg s24  }
0xb1: {  	[dreg:$0x4] =	wrdreg s18  }
0xb2: {  	[dreg:$0x5] =	wrdreg $0x52000  }
0xb3: {  	[dreg:$0x6] =	wrdreg $0x9  }
0xb4: {  	_ =	task.clear_ibuf [dreg:s8], $0x7FFFF;
	_ =	strace $0x90000046  }
0xb5: {  	s29 =	simm.s32 $0x9;
	_ =	strace $0x80000048  }
0xb6: {  	_ =	swait.ge [sflag:s29], $0x1  }
0xb7: {  	[sflag:s29] =	ssyncadd.s32 $0xFFFFFFFF  }
0xb8: {  	_ =	strace $0x90000048  }
0xb9: {  	_ =	sfence  }
0xba: {  	s30 =	sld [smem:$0x0];
	_ =	sdelay $0x2  }
0xbb: {  	s31 =	sshll.u32 s1, $0xD;
	s1 =	sshrl.u32 s1, $0x2  }
0xbc: {  	s3 =	sand.u32 $0x4000, s31;
	s1 =	sadd.s32 s1, s30  }
0xbd: {  	s0 =	sor.u32 s3, s0;
	s1 =	sshll.u32 s1, $0x11  }
0xbe: {  	s0 =	sor.u32 s1, s0  }
0xbf: {  	s0 =	sadd.s32 $0x8F2B, s0  }
0xc0: {  	[sflag:s0] =	ssyncadd.remote.s32 $0x1  }
0xc1: {  	_ =	sfence.sel $0xFFFF  }
0xc2: {  	[dreg:$0x0] =	wrdreg $0xFFFFFFFF;
	(pc) =	sbr.abs _section_cstart, $3  }
0xc3: {  	[dreg:$0x1] =	wrdreg $0xFFFFFFFF  }
0xc4: {  	_ =	task.clear_ibuf [dreg:s8], $0x2FFFF;
	_ =	strace $0x9FFFFFFF  }
0xc5: {  	(tm) =	ssettm $0x7FFFFFFF  }
tec
execute0_lowered:
.L_overlay_start_1:
0x0: {  	(tag) =	ssettag $0x1  }
0x1: {  	s1 =	rddreg [dreg:$0x0]  }
0x2: {  	s0 =	rddreg [dreg:$0x1]  }
0x3: {  	s16 =	rddreg [dreg:$0x2]  }
0x4: {  	s2 =	rddreg [dreg:$0x3];
	s4 =	simm.s32 $0x0;
	s5 =	srdreg.scid  }
0x5: {  	s3 =	stileid.u32;
	s18 =	simm.s32 $0x100;
	s19 =	simm.s32 $0x3  }
0x6: {  	s20 =	simm.s32 $0x50;
	s21 =	simm.s32 $0x2900;
	s22 =	simm.s32 $0x2A00  }
0x7: {  	s23 =	simm.s32 $0x80;
	s28 =	simm.s32 $0x0;
	s12 =	smul.u32 $0x4E20, s3  }
0x8: {  	[smem:$0x7FF] =	sst s4;
	s7 =	sand.u32 $0x1, s5;
	s14 =	smul.u32 $0xA000, s3  }
0x9: {  	s24 =	sshll.u32 s3, $0x1;
	s5 =	sadd.s32 $0x1000, s0;
	s17 =	smul.u32 $0x500, s3  }
0xa: {  	p0 =	slt.u32 s3, $0xD;
	_ =	strace $0x80000047;
	s6 =	smul.u32 $0x27100, s7  }
0xb: {  	s8 =	ssub.s32 $0x2, s7;
	s9 =	sor.u32 s7, s24;
	s13 =	smul.u32 $0x2710, s7  }
0xc: {  	s24 =	simm.s32 $0x1;
	s10 =	sshrl.u32 s8, $0x1;
	s9 =	smul.u32 $0x2710, s9  }
0xd: {  	s30 =	sshrl.u32 s14, $0x2;
	s0 =	sadd.s32 s6, s0;
	s11 =	ssub.s32 s8, s10  }
0xe: {  	s6 =	simm.s32 $0x8;
	s29 =	sadd.s32 s13, s12;
	s12 =	sadd.s32 s30, s2  }
0xf: {  	s25 =	sshrl.u32 s9, $0x3;
	s6 =	simm.s32 @!p0 $0x7;
	s10 =	sadd.s32 $0x59000, s0  }
0x10: {  	s11 =	smax.u32 s11, $0x1;
	s31 =	sadd.s32 $0x50, s29;
	s13 =	sadd.s32 $0xA0, s29  }
0x11: {  	s9 =	sadd.s32 s16, s25;
	s26 =	sadd.s32 s5, s25;
	s15 =	sshrl.u32 s31, $0x3  }
0x12: {  	s25 =	simm.s32 $0x2980;
	[dreg:$0x5] =	wrdreg s26;
	s8 =	sadd.s32 $0x4D8, s9  }
0x13: {  	s9 =	sadd.s32 $0xAE00, s0;
	s14 =	sadd.s32 s15, s16;
	s0 =	sshrl.u32 s29, $0x3  }
0x14: {  	v0 =	vimm.f32 $0.0e+00;
	v1 =	vimm.f32 $1.000000000e+00;
	s15 =	sadd.s32 s15, s5;
	s26 =	simm.s32 $0x2;
	s16 =	sadd.s32 s0, s16  }
.LBB2_1:
0x15: {  	s29 =	simm.s32 $0x0;
	s30 =	simm.s32 $0x200  }
.LBB2_2:
0x16: {  	p0 =	sne.s32 s30, $0x9E00;
	[tilespmem:s29+$0x170] =	vst v0  }
0x17: {  	[tilespmem:s29+$0x100] =	vst v0  }
0x18: {  	[tilespmem:s29+$0x110] =	vst v0  }
.Ltmp0:
0x19: {  	[tilespmem:s29+$0x120] =	vst v0;
	(pc) =	sbr.rel @p0 .LBB2_2-.Ltmp0, $4  }
0x1a: {  	[tilespmem:s29+$0x130] =	vst v0  }
0x1b: {  	[tilespmem:s29+$0x140] =	vst v0  }
0x1c: {  	[tilespmem:s29+$0x150] =	vst v0  }
0x1d: {  	[tilespmem:s29+$0x160] =	vst v0;
	s29 =	sshra.s32 s30, $0x2;
	s30 =	sadd.s32 $0x200, s30  }
0x1e: {  	[tilespmem:s29+$0x170] =	vst v0  }
0x1f: {  	[tilespmem:s29+$0x100] =	vst v0  }
0x20: {  	[tilespmem:s29+$0x110] =	vst v0  }
0x21: {  	[tilespmem:s29+$0x120] =	vst v0  }
0x22: {  	[tilespmem:s29+$0x130] =	vst v0  }
0x23: {  	[tilespmem:s29+$0x140] =	vst v0;
	p0 =	sne.s32 s6, $0x1  }
.Ltmp1:
0x24: {  	[tilespmem:s29+$0x150] =	vst v0;
	(pc) =	sbr.rel @!p0 .LBB2_5-.Ltmp1, $4  }
0x25: {  	[tilespmem:s29+$0x160] =	vst v0  }
0x26: {  	[spmem:s12] =	stream.linear.scatter [tilespmem:s18], [sflag:$0x3], $0x2800, $0x38;
	[tilespmem:$0x18A80] =	vst v63  }
0x27: {  	_ =	swait.ge [sflag:s19], $0x2800  }
0x28: {  	s29 =	sadd.s32 $0xFFFFFFFF, s6;
	s30 =	smov.u32 s12;
	[sflag:s19] =	ssyncset.done $0x0  }
.LBB2_4:
0x29: {  	p1 =	sne.s32 s29, $0x1;
	[sflag:s19] =	ssyncadd.s32 $0xFFFFD800;
	s30 =	sadd.s32 $0x28000, s30  }
.Ltmp2:
0x2a: {  	s29 =	sadd.s32 $0xFFFFFFFF, s29;
	(pc) =	sbr.rel @p1 .LBB2_4-.Ltmp2, $4  }
0x2b: {  	_ = 	snop  }
0x2c: {  	[spmem:s30] =	stream.linear.scatter [tilespmem:s18], [sflag:$0x3], $0x2800, $0x38;
	[tilespmem:$0x18A80] =	vst v63  }
0x2d: {  	_ =	swait.ge [sflag:s19], $0x2800  }
0x2e: {  	[sflag:s19] =	ssyncset.done $0x0  }
.LBB2_5:
0x2f: {  	[sflag:s19] =	ssyncadd.s32 $0xFFFFD800  }
0x30: {  	[bflag:$0x0] =	sbarrier.arrive $0xFFFF  }
0x31: {  	s0 =	simm.s32 $0x0;
	s3 =	rddreg [dreg:$0x5]  }
0x32: {  	[tilespmem:s0], [sflag:$0x3] =	stream.linear.gather [hbm4b:s3+s0], $0x50, $0x38;
	[tilespmem:$0x18A80] =	vst v63  }
0x33: {  	_ =	swait.ge [sflag:s19], $0x50  }
0x34: {  	[sflag:s19] =	ssyncset.done $0x0  }
0x35: {  	[sflag:s19] =	ssyncadd.s32 $0xFFFFFFB0  }
0x36: {  	[tilespmem:s18], [sflag:$0x1] =	stream.indirect.gather [hbm4b:s1+s20], $0x80, s0, s20, $0xb8;
	[tilespmem:$0x18A80] =	vst v63  }
0x37: {  	s3 =	sadd.s32 $0x0, s15  }
0x38: {  	[tilespmem:s21], [sflag:$0x3] =	stream.linear.gather [hbm4b:s3+s4], $0x50, $0x38;
	[tilespmem:$0x18A80] =	vst v63  }
0x39: {  	_ =	swait.ge [sflag:s19], $0x50  }
0x3a: {  	[sflag:s19] =	ssyncset.done $0x0  }
0x3b: {  	[sflag:s19] =	ssyncadd.s32 $0xFFFFFFB0  }
0x3c: {  	[tilespmem:s22], [sflag:$0x2] =	stream.indirect.gather [hbm4b:s1+s20], $0x80, s21, s20, $0xb8;
	[tilespmem:$0x18A80] =	vst v63  }
0x3d: {  	s7 =	sadd.s32 $0x0, s16  }
0x3e: {  	[tilespmem:s23], [sflag:$0x3] =	stream.linear.gather [hbm4b:s7+s4], $0x50, $0x38;
	[tilespmem:$0x18A80] =	vst v63  }
0x3f: {  	_ =	swait.ge [sflag:s19], $0x50  }
0x40: {  	[sflag:s19] =	ssyncset.done $0x0  }
0x41: {  	[sflag:s19] =	ssyncadd.s32 $0xFFFFFFB0  }
0x42: {  	_ =	swait.ge [sflag:s24], $0x2800  }
0x43: {  	[sflag:s24] =	ssyncset.done $0x0  }
0x44: {  	[sflag:s24] =	ssyncadd.s32 $0xFFFFD800  }
0x45: {  	[spmem:s2] =	stream.indirect.scatter.add.f32 [tilespmem:s18], [sflag:$0x3], $0x80, s23, s20, $0xb8;
	[tilespmem:$0x18A80] =	vst v63  }
0x46: {  	_ =	swait.ge [sflag:s19], $0x2800  }
0x47: {  	s3 =	sshrl.u32 s13, $0x3;
	[sflag:s19] =	ssyncset.done $0x0  }
0x48: {  	s0 =	sadd.s32 s5, s3;
	[sflag:s19] =	ssyncadd.s32 $0xFFFFD800  }
0x49: {  	[tilespmem:s4], [sflag:$0x3] =	stream.linear.gather [hbm4b:s0+s4], $0x50, $0x38;
	[tilespmem:$0x18A80] =	vst v63  }
0x4a: {  	_ =	swait.ge [sflag:s19], $0x50  }
0x4b: {  	[sflag:s19] =	ssyncset.done $0x0  }
0x4c: {  	[sflag:s19] =	ssyncadd.s32 $0xFFFFFFB0  }
0x4d: {  	[tilespmem:s18], [sflag:$0x1] =	stream.indirect.gather [hbm4b:s1+s20], $0x80, s4, s20, $0xb8;
	[tilespmem:$0x18A80] =	vst v63  }
0x4e: {  	s7 =	sadd.s32 $0x0, s14  }
0x4f: {  	[tilespmem:s25], [sflag:$0x3] =	stream.linear.gather [hbm4b:s7+s4], $0x50, $0x38;
	[tilespmem:$0x18A80] =	vst v63  }
0x50: {  	_ =	swait.ge [sflag:s19], $0x50  }
0x51: {  	[sflag:s19] =	ssyncset.done $0x0  }
0x52: {  	[sflag:s19] =	ssyncadd.s32 $0xFFFFFFB0  }
0x53: {  	_ =	swait.ge [sflag:s26], $0x2800  }
0x54: {  	[sflag:s26] =	ssyncset.done $0x0  }
0x55: {  	[sflag:s26] =	ssyncadd.s32 $0xFFFFD800  }
0x56: {  	[spmem:s2] =	stream.indirect.scatter.add.f32 [tilespmem:s22], [sflag:$0x3], $0x80, s25, s20, $0xb8;
	[tilespmem:$0x18A80] =	vst v63  }
0x57: {  	s29 =	simm.s32 $0x14;
	_ =	swait.ge [sflag:s19], $0x2800  }
0x58: {  	s31 =	simm.s32 $0x28;
	s30 =	sadd.s32 $0xA0, s13;
	[sflag:s19] =	ssyncset.done $0x0  }
.LBB2_6:
0x59: {  	s3 =	sadd.s32 s29, s15  }
0x5a: {  	[sflag:s19] =	ssyncadd.s32 $0xFFFFD800;
	s7 =	smov.u32 s31;
	s0 =	sadd.s32 $0x14, s31  }
0x5b: {  	[tilespmem:s21], [sflag:$0x3] =	stream.linear.gather [hbm4b:s3+s4], $0x50, $0x38;
	[tilespmem:$0x18A80] =	vst v63  }
0x5c: {  	p1 =	sne.s32 s31, $0x4C4;
	_ =	swait.ge [sflag:s19], $0x50  }
0x5d: {  	[sflag:s19] =	ssyncset.done $0x0  }
0x5e: {  	[sflag:s19] =	ssyncadd.s32 $0xFFFFFFB0  }
0x5f: {  	[tilespmem:s22], [sflag:$0x2] =	stream.indirect.gather [hbm4b:s1+s20], $0x80, s21, s20, $0xb8;
	[tilespmem:$0x18A80] =	vst v63  }
0x60: {  	s3 =	sadd.s32 s29, s16  }
0x61: {  	[tilespmem:s23], [sflag:$0x3] =	stream.linear.gather [hbm4b:s3+s4], $0x50, $0x38;
	[tilespmem:$0x18A80] =	vst v63  }
0x62: {  	_ =	swait.ge [sflag:s19], $0x50  }
0x63: {  	[sflag:s19] =	ssyncset.done $0x0  }
0x64: {  	[sflag:s19] =	ssyncadd.s32 $0xFFFFFFB0  }
0x65: {  	_ =	swait.ge [sflag:s24], $0x2800  }
0x66: {  	[sflag:s24] =	ssyncset.done $0x0  }
0x67: {  	[sflag:s24] =	ssyncadd.s32 $0xFFFFD800  }
0x68: {  	[spmem:s2] =	stream.indirect.scatter.add.f32 [tilespmem:s18], [sflag:$0x3], $0x80, s23, s20, $0xb8;
	[tilespmem:$0x18A80] =	vst v63  }
0x69: {  	_ =	swait.ge [sflag:s19], $0x2800  }
0x6a: {  	s3 =	sshrl.u32 s30, $0x3;
	[sflag:s19] =	ssyncset.done $0x0  }
0x6b: {  	s3 =	sadd.s32 s5, s3;
	[sflag:s19] =	ssyncadd.s32 $0xFFFFD800  }
0x6c: {  	[tilespmem:s4], [sflag:$0x3] =	stream.linear.gather [hbm4b:s3+s4], $0x50, $0x38;
	[tilespmem:$0x18A80] =	vst v63  }
0x6d: {  	_ =	swait.ge [sflag:s19], $0x50  }
0x6e: {  	[sflag:s19] =	ssyncset.done $0x0  }
0x6f: {  	[sflag:s19] =	ssyncadd.s32 $0xFFFFFFB0  }
0x70: {  	[tilespmem:s18], [sflag:$0x1] =	stream.indirect.gather [hbm4b:s1+s20], $0x80, s4, s20, $0xb8;
	[tilespmem:$0x18A80] =	vst v63  }
0x71: {  	s3 =	sadd.s32 s29, s14;
	s29 =	smov.u32 s7  }
0x72: {  	[tilespmem:s25], [sflag:$0x3] =	stream.linear.gather [hbm4b:s3+s4], $0x50, $0x38;
	[tilespmem:$0x18A80] =	vst v63  }
0x73: {  	_ =	swait.ge [sflag:s19], $0x50  }
0x74: {  	[sflag:s19] =	ssyncset.done $0x0  }
0x75: {  	[sflag:s19] =	ssyncadd.s32 $0xFFFFFFB0  }
0x76: {  	_ =	swait.ge [sflag:s26], $0x2800  }
.Ltmp3:
0x77: {  	[sflag:s26] =	ssyncset.done $0x0;
	(pc) =	sbr.rel @p1 .LBB2_6-.Ltmp3, $4  }
0x78: {  	[sflag:s26] =	ssyncadd.s32 $0xFFFFD800  }
0x79: {  	[spmem:s2] =	stream.indirect.scatter.add.f32 [tilespmem:s22], [sflag:$0x3], $0x80, s25, s20, $0xb8;
	[tilespmem:$0x18A80] =	vst v63  }
0x7a: {  	_ =	swait.ge [sflag:s19], $0x2800  }
0x7b: {  	s31 =	smov.u32 s0;
	s30 =	sadd.s32 $0xA0, s30;
	[sflag:s19] =	ssyncset.done $0x0  }
0x7c: {  	s0 =	sadd.s32 s29, s15;
	[sflag:s19] =	ssyncadd.s32 $0xFFFFD800  }
0x7d: {  	[tilespmem:s21], [sflag:$0x3] =	stream.linear.gather [hbm4b:s0+s4], $0x50, $0x38;
	[tilespmem:$0x18A80] =	vst v63  }
0x7e: {  	_ =	swait.ge [sflag:s19], $0x50  }
0x7f: {  	[sflag:s19] =	ssyncset.done $0x0  }
0x80: {  	[sflag:s19] =	ssyncadd.s32 $0xFFFFFFB0  }
0x81: {  	[tilespmem:s22], [sflag:$0x2] =	stream.indirect.gather [hbm4b:s1+s20], $0x80, s21, s20, $0xb8;
	[tilespmem:$0x18A80] =	vst v63  }
0x82: {  	s3 =	sadd.s32 s29, s16  }
0x83: {  	[tilespmem:s23], [sflag:$0x3] =	stream.linear.gather [hbm4b:s3+s4], $0x50, $0x38;
	[tilespmem:$0x18A80] =	vst v63  }
0x84: {  	_ =	swait.ge [sflag:s19], $0x50  }
0x85: {  	[sflag:s19] =	ssyncset.done $0x0  }
0x86: {  	[sflag:s19] =	ssyncadd.s32 $0xFFFFFFB0  }
0x87: {  	_ =	swait.ge [sflag:s24], $0x2800  }
0x88: {  	[sflag:s24] =	ssyncset.done $0x0  }
0x89: {  	[sflag:s24] =	ssyncadd.s32 $0xFFFFD800  }
0x8a: {  	[spmem:s2] =	stream.indirect.scatter.add.f32 [tilespmem:s18], [sflag:$0x3], $0x80, s23, s20, $0xb8;
	[tilespmem:$0x18A80] =	vst v63  }
0x8b: {  	_ =	swait.ge [sflag:s19], $0x2800  }
0x8c: {  	s7 =	sshrl.u32 s30, $0x3;
	[sflag:s19] =	ssyncset.done $0x0  }
0x8d: {  	s0 =	sadd.s32 s5, s7;
	[sflag:s19] =	ssyncadd.s32 $0xFFFFD800  }
0x8e: {  	[tilespmem:s4], [sflag:$0x3] =	stream.linear.gather [hbm4b:s0+s4], $0x50, $0x38;
	[tilespmem:$0x18A80] =	vst v63  }
0x8f: {  	_ =	swait.ge [sflag:s19], $0x50  }
0x90: {  	[sflag:s19] =	ssyncset.done $0x0  }
0x91: {  	[sflag:s19] =	ssyncadd.s32 $0xFFFFFFB0  }
0x92: {  	[tilespmem:s18], [sflag:$0x1] =	stream.indirect.gather [hbm4b:s1+s20], $0x80, s4, s20, $0xb8;
	[tilespmem:$0x18A80] =	vst v63  }
0x93: {  	s3 =	sadd.s32 s29, s14  }
0x94: {  	[tilespmem:s25], [sflag:$0x3] =	stream.linear.gather [hbm4b:s3+s4], $0x50, $0x38;
	[tilespmem:$0x18A80] =	vst v63  }
0x95: {  	_ =	swait.ge [sflag:s19], $0x50  }
0x96: {  	[sflag:s19] =	ssyncset.done $0x0  }
0x97: {  	[sflag:s19] =	ssyncadd.s32 $0xFFFFFFB0  }
0x98: {  	_ =	swait.ge [sflag:s26], $0x2800  }
0x99: {  	[sflag:s26] =	ssyncset.done $0x0  }
0x9a: {  	[sflag:s26] =	ssyncadd.s32 $0xFFFFD800  }
0x9b: {  	[spmem:s2] =	stream.indirect.scatter.add.f32 [tilespmem:s22], [sflag:$0x3], $0x80, s25, s20, $0xb8;
	[tilespmem:$0x18A80] =	vst v63  }
0x9c: {  	_ =	swait.ge [sflag:s19], $0x2800  }
0x9d: {  	[sflag:s19] =	ssyncset.done $0x0  }
0x9e: {  	[sflag:s19] =	ssyncadd.s32 $0xFFFFD800  }
0x9f: {  	[tilespmem:s23], [sflag:$0x3] =	stream.linear.gather [hbm4b:s8+s4], $0x50, $0x38;
	[tilespmem:$0x18A80] =	vst v63  }
0xa0: {  	_ =	swait.ge [sflag:s19], $0x50  }
0xa1: {  	[sflag:s19] =	ssyncset.done $0x0  }
0xa2: {  	[sflag:s19] =	ssyncadd.s32 $0xFFFFFFB0  }
0xa3: {  	_ =	swait.ge [sflag:s24], $0x2800  }
0xa4: {  	[sflag:s24] =	ssyncset.done $0x0  }
0xa5: {  	[sflag:s24] =	ssyncadd.s32 $0xFFFFD800  }
0xa6: {  	[spmem:s2] =	stream.indirect.scatter.add.f32 [tilespmem:s18], [sflag:$0x3], $0x80, s23, s20, $0xb8;
	[tilespmem:$0x18A80] =	vst v63  }
0xa7: {  	_ =	swait.ge [sflag:s19], $0x2800  }
0xa8: {  	[sflag:s19] =	ssyncset.done $0x0  }
0xa9: {  	[sflag:s19] =	ssyncadd.s32 $0xFFFFD800  }
0xaa: {  	[bflag:$0x0] =	sbarrier.arrive $0xFFFF  }
0xab: {  	[tilespmem:s18], [sflag:$0x3] =	stream.linear.gather [spmem:s12], $0x2800, $0x38;
	[tilespmem:$0x18A80] =	vst v63  }
0xac: {  	_ =	swait.ge [sflag:s19], $0x2800  }
.Ltmp4:
0xad: {  	[sflag:s19] =	ssyncset.done $0x0;
	(pc) =	sbr.rel @!p0 .LBB2_9-.Ltmp4, $4  }
0xae: {  	s7 =	sadd.s32 s17, s9;
	[sflag:s19] =	ssyncadd.s32 $0xFFFFD800  }
0xaf: {  	[hbm4b:s7+s4] =	stream.linear.scatter [tilespmem:s18], [sflag:$0x3], $0x2800, $0x38;
	[tilespmem:$0x18A80] =	vst v63  }
0xb0: {  	s30 =	smov.u32 s17;
	_ =	swait.ge [sflag:s19], $0x2800  }
0xb1: {  	s31 =	smov.u32 s12;
	s29 =	sadd.s32 $0xFFFFFFFF, s6;
	[sflag:s19] =	ssyncset.done $0x0  }
.LBB2_8:
0xb2: {  	[sflag:s19] =	ssyncadd.s32 $0xFFFFD800;
	s30 =	sadd.s32 $0x5000, s30;
	s31 =	sadd.s32 $0x28000, s31  }
0xb3: {  	[tilespmem:s18], [sflag:$0x3] =	stream.linear.gather [spmem:s31], $0x2800, $0x38;
	[tilespmem:$0x18A80] =	vst v63  }
0xb4: {  	p1 =	sne.s32 s29, $0x1;
	s29 =	sadd.s32 $0xFFFFFFFF, s29;
	_ =	swait.ge [sflag:s19], $0x2800  }
.Ltmp5:
0xb5: {  	[sflag:s19] =	ssyncset.done $0x0;
	(pc) =	sbr.rel @p1 .LBB2_8-.Ltmp5, $4  }
0xb6: {  	s0 =	sadd.s32 s30, s9;
	[sflag:s19] =	ssyncadd.s32 $0xFFFFD800  }
0xb7: {  	[hbm4b:s0+s4] =	stream.linear.scatter [tilespmem:s18], [sflag:$0x3], $0x2800, $0x38;
	[tilespmem:$0x18A80] =	vst v63  }
0xb8: {  	_ =	swait.ge [sflag:s19], $0x2800  }
0xb9: {  	[sflag:s19] =	ssyncset.done $0x0  }
.LBB2_9:
0xba: {  	[sflag:s19] =	ssyncadd.s32 $0xFFFFD800  }
0xbb: {  	s29 =	simm.s32 $0x0;
	s30 =	simm.s32 $0x200;
	[bflag:$0x0] =	sbarrier.arrive $0xFFFF  }
.LBB2_10:
0xbc: {  	p1 =	sne.s32 s30, $0x9E00;
	[tilespmem:s29+$0x170] =	vst v0  }
0xbd: {  	[tilespmem:s29+$0x100] =	vst v0  }
0xbe: {  	[tilespmem:s29+$0x110] =	vst v0  }
.Ltmp6:
0xbf: {  	[tilespmem:s29+$0x120] =	vst v0;
	(pc) =	sbr.rel @p1 .LBB2_10-.Ltmp6, $4  }
0xc0: {  	[tilespmem:s29+$0x130] =	vst v0  }
0xc1: {  	[tilespmem:s29+$0x140] =	vst v0  }
0xc2: {  	[tilespmem:s29+$0x150] =	vst v0  }
0xc3: {  	[tilespmem:s29+$0x160] =	vst v0;
	s29 =	sshra.s32 s30, $0x2;
	s30 =	sadd.s32 $0x200, s30  }
0xc4: {  	[tilespmem:s29+$0x170] =	vst v0  }
0xc5: {  	[tilespmem:s29+$0x100] =	vst v0  }
0xc6: {  	[tilespmem:s29+$0x110] =	vst v0  }
0xc7: {  	[tilespmem:s29+$0x120] =	vst v0  }
0xc8: {  	[tilespmem:s29+$0x130] =	vst v0  }
0xc9: {  	[tilespmem:s29+$0x140] =	vst v0  }
0xca: {  	[tilespmem:s29+$0x150] =	vst v0  }
0xcb: {  	[tilespmem:s29+$0x160] =	vst v0;
	s0 =	smov.u32 s12;
	s29 =	smov.u32 s6  }
.LBB2_12:
0xcc: {  	p1 =	sne.s32 s29, $0x1  }
.Ltmp7:
0xcd: {  	_ = 	snop;
	(pc) =	sbr.rel @p1 .LBB2_12-.Ltmp7, $4  }
0xce: {  	[spmem:s0] =	stream.linear.scatter [tilespmem:s18], [sflag:$0x3], $0x2800, $0x38;
	[tilespmem:$0x18A80] =	vst v63  }
0xcf: {  	_ =	swait.ge [sflag:s19], $0x2800  }
0xd0: {  	[sflag:s19] =	ssyncset.done $0x0  }
0xd1: {  	s0 =	sadd.s32 $0x28000, s0;
	s29 =	sadd.s32 $0xFFFFFFFF, s29;
	[sflag:s19] =	ssyncadd.s32 $0xFFFFD800  }
0xd2: {  	s29 =	simm.s32 $0x0;
	s30 =	simm.s32 $0x200  }
.LBB2_14:
0xd3: {  	p1 =	sne.s32 s30, $0x9E00;
	[tilespmem:s29+$0x170] =	vst v1  }
0xd4: {  	[tilespmem:s29+$0x100] =	vst v1  }
0xd5: {  	[tilespmem:s29+$0x110] =	vst v1  }
.Ltmp8:
0xd6: {  	[tilespmem:s29+$0x120] =	vst v1;
	(pc) =	sbr.rel @p1 .LBB2_14-.Ltmp8, $4  }
0xd7: {  	[tilespmem:s29+$0x130] =	vst v1  }
0xd8: {  	[tilespmem:s29+$0x140] =	vst v1  }
0xd9: {  	[tilespmem:s29+$0x150] =	vst v1  }
0xda: {  	[tilespmem:s29+$0x160] =	vst v1;
	s29 =	sshra.s32 s30, $0x2;
	s30 =	sadd.s32 $0x200, s30  }
0xdb: {  	[tilespmem:s29+$0x170] =	vst v1  }
0xdc: {  	[tilespmem:s29+$0x100] =	vst v1  }
0xdd: {  	[tilespmem:s29+$0x110] =	vst v1  }
0xde: {  	[tilespmem:s29+$0x120] =	vst v1  }
0xdf: {  	[tilespmem:s29+$0x130] =	vst v1  }
0xe0: {  	[tilespmem:s29+$0x140] =	vst v1  }
0xe1: {  	[tilespmem:s29+$0x150] =	vst v1  }
0xe2: {  	[tilespmem:s29+$0x160] =	vst v1  }
0xe3: {  	s0 =	sadd.s32 $0x0, s16;
	[bflag:$0x0] =	sbarrier.arrive $0xFFFF  }
0xe4: {  	[tilespmem:s23], [sflag:$0x3] =	stream.linear.gather [hbm4b:s0+s4], $0x50, $0x38;
	[tilespmem:$0x18A80] =	vst v63  }
0xe5: {  	_ =	swait.ge [sflag:s19], $0x50  }
0xe6: {  	[sflag:s19] =	ssyncset.done $0x0  }
0xe7: {  	[sflag:s19] =	ssyncadd.s32 $0xFFFFFFB0  }
0xe8: {  	[spmem:s2] =	stream.indirect.scatter.add.f32 [tilespmem:s18], [sflag:$0x3], $0x80, s23, s20, $0xb8;
	[tilespmem:$0x18A80] =	vst v63  }
0xe9: {  	_ =	swait.ge [sflag:s19], $0x2800  }
0xea: {  	s29 =	simm.s32 $0xA;
	s0 =	simm.s32 $0x14;
	[sflag:s19] =	ssyncset.done $0x0  }
.LBB2_16:
0xeb: {  	s3 =	sadd.s32 s29, s16  }
0xec: {  	[sflag:s19] =	ssyncadd.s32 $0xFFFFD800;
	s29 =	smov.u32 s0;
	s7 =	sadd.s32 $0xA, s0  }
0xed: {  	[tilespmem:s23], [sflag:$0x3] =	stream.linear.gather [hbm4b:s3+s4], $0x50, $0x38;
	[tilespmem:$0x18A80] =	vst v63  }
0xee: {  	p1 =	sne.s32 s0, $0x4D8;
	_ =	swait.ge [sflag:s19], $0x50  }
.Ltmp9:
0xef: {  	[sflag:s19] =	ssyncset.done $0x0;
	(pc) =	sbr.rel @p1 .LBB2_16-.Ltmp9, $4  }
0xf0: {  	[sflag:s19] =	ssyncadd.s32 $0xFFFFFFB0  }
0xf1: {  	[spmem:s2] =	stream.indirect.scatter.add.f32 [tilespmem:s18], [sflag:$0x3], $0x80, s23, s20, $0xb8;
	[tilespmem:$0x18A80] =	vst v63  }
0xf2: {  	_ =	swait.ge [sflag:s19], $0x2800  }
0xf3: {  	s0 =	smov.u32 s7;
	[sflag:s19] =	ssyncset.done $0x0  }
0xf4: {  	s0 =	sadd.s32 s29, s16;
	[sflag:s19] =	ssyncadd.s32 $0xFFFFD800  }
0xf5: {  	[tilespmem:s23], [sflag:$0x3] =	stream.linear.gather [hbm4b:s0+s4], $0x50, $0x38;
	[tilespmem:$0x18A80] =	vst v63  }
0xf6: {  	_ =	swait.ge [sflag:s19], $0x50  }
0xf7: {  	[sflag:s19] =	ssyncset.done $0x0  }
0xf8: {  	[sflag:s19] =	ssyncadd.s32 $0xFFFFFFB0  }
0xf9: {  	[spmem:s2] =	stream.indirect.scatter.add.f32 [tilespmem:s18], [sflag:$0x3], $0x80, s23, s20, $0xb8;
	[tilespmem:$0x18A80] =	vst v63  }
0xfa: {  	_ =	swait.ge [sflag:s19], $0x2800  }
0xfb: {  	[sflag:s19] =	ssyncset.done $0x0  }
0xfc: {  	[sflag:s19] =	ssyncadd.s32 $0xFFFFD800  }
0xfd: {  	[bflag:$0x0] =	sbarrier.arrive $0xFFFF  }
0xfe: {  	[tilespmem:s18], [sflag:$0x3] =	stream.linear.gather [spmem:s12], $0x2800, $0x38;
	[tilespmem:$0x18A80] =	vst v63  }
0xff: {  	_ =	swait.ge [sflag:s19], $0x2800  }
.Ltmp10:
0x100: {  	[sflag:s19] =	ssyncset.done $0x0;
	(pc) =	sbr.rel @!p0 .LBB2_19-.Ltmp10, $4  }
0x101: {  	s7 =	sadd.s32 s17, s10;
	[sflag:s19] =	ssyncadd.s32 $0xFFFFD800  }
0x102: {  	[hbm4b:s7+s4] =	stream.linear.scatter [tilespmem:s18], [sflag:$0x3], $0x2800, $0x38;
	[tilespmem:$0x18A80] =	vst v63  }
0x103: {  	s29 =	sadd.s32 $0xFFFFFFFF, s6;
	_ =	swait.ge [sflag:s19], $0x2800  }
0x104: {  	s30 =	smov.u32 s17;
	s31 =	smov.u32 s12;
	[sflag:s19] =	ssyncset.done $0x0  }
.LBB2_18:
0x105: {  	[sflag:s19] =	ssyncadd.s32 $0xFFFFD800;
	s30 =	sadd.s32 $0x5000, s30;
	s31 =	sadd.s32 $0x28000, s31  }
0x106: {  	[tilespmem:s18], [sflag:$0x3] =	stream.linear.gather [spmem:s31], $0x2800, $0x38;
	[tilespmem:$0x18A80] =	vst v63  }
0x107: {  	p0 =	sne.s32 s29, $0x1;
	s29 =	sadd.s32 $0xFFFFFFFF, s29;
	_ =	swait.ge [sflag:s19], $0x2800  }
.Ltmp11:
0x108: {  	[sflag:s19] =	ssyncset.done $0x0;
	(pc) =	sbr.rel @p0 .LBB2_18-.Ltmp11, $4  }
0x109: {  	s0 =	sadd.s32 s30, s10;
	[sflag:s19] =	ssyncadd.s32 $0xFFFFD800  }
0x10a: {  	[hbm4b:s0+s4] =	stream.linear.scatter [tilespmem:s18], [sflag:$0x3], $0x2800, $0x38;
	[tilespmem:$0x18A80] =	vst v63  }
0x10b: {  	_ =	swait.ge [sflag:s19], $0x2800  }
0x10c: {  	[sflag:s19] =	ssyncset.done $0x0  }
.LBB2_19:
0x10d: {  	s28 =	sadd.s32 $0x1, s28  }
0x10e: {  	p0 =	sne.s32 s28, s11  }
.Ltmp12:
0x10f: {  	_ = 	snop;
	(pc) =	sbr.rel @p0 .LBB2_1-.Ltmp12, $2  }
0x110: {  	_ =	sdelay $0x2  }
0x111: {  	[sflag:s19] =	ssyncadd.s32 $0xFFFFD800  }
0x112: {  	_ =	sfence.sel $0x180000  }
0x113: {  	[bflag:$0x0] =	sbarrier.arrive $0xFFFF  }
0x114: {  	_ =	strace $0x90000047  }
0x115: {  	s0 =	stileid.u32;
	[bflag:$0x2] =	sbarrier.arrive $0xFFFF  }
0x116: {  	p0 =	sne.s32 s0, $0x0;
	s0 =	rddreg [dreg:$0x4]  }
0x117: {  	s0 =	sadd.s32 @!p0 $0x100000, s0  }
0x118: {  	[sflag:s0] =	ssyncadd.tile.s32 @!p0 $0x1;
	_ =	shalt  }
.Lfunc_end2:
_tile_overlayer_lowered:
.L_overlay_start_2:
0x119: {  	(tag) =	ssettag $0x2  }
0x11a: {  	s0 =	rddreg [dreg:$0x0];
	s2 =	stileid.u32  }
0x11b: {  	s1 =	rddreg [dreg:$0x1];
	p0 =	sne.s32 s2, $0x0  }
0x11c: {  	s3 =	rddreg [dreg:$0x2];
	[bflag:$0x3] =	sbarrier.arrive $0xFFFF;
	s2 =	simm.s32 @!p0 $0x1C03  }
0x11d: {  	[timem:s3], [sflag:s2] =	dma.local @!p0 [hbm:s0], s1  }
0x11e: {  	s0 =	simm.s32 @!p0 $0x3  }
0x11f: {  	_ =	swait.ge @!p0 [sflag:s0], s1  }
0x120: {  	s1 =	ssub.s32 @!p0 $0x0, s1;
	[sflag:s0] =	ssyncset.done @!p0 $0x0  }
0x121: {  	[sflag:s0] =	ssyncadd.s32 @!p0 s1  }
0x122: {  	[bflag:$0x3] =	sbarrier.arrive $0xFFFF  }
0x123: {  	_ =	shalt  }

</sc_bundles>
